<compile_context>
chip_gen: v7x
topology: tpu7x:2x2x1
jax: 0.10.2.dev20260603
libtpu: 0.0.44.dev20260713+nightly
codegen_flags: <defaults>
</compile_context>

<pallas_src>
import functools

import jax
from jax import lax
from jax.experimental import pallas as pl
from jax.experimental.pallas import tpu as pltpu
from jax.experimental.pallas import tpu_sc as plsc

_CH = 32


@functools.cache
def _make_sc_broadcast(B, S, H, dtype):
    info = plsc.get_sparse_core_info()
    num_cores, num_subcores = info.num_cores, info.num_subcores
    num_workers = num_cores * num_subcores
    rows_w = S // num_workers
    n_chunks = rows_w // _CH
    mesh = plsc.VectorSubcoreMesh(core_axis_name="c", subcore_axis_name="s")

    @functools.partial(
        pl.kernel,
        out_type=jax.ShapeDtypeStruct((B, S, H), dtype),
        mesh=mesh,
        scratch_types=[
            pltpu.VMEM((_CH, H), dtype),
            pltpu.VMEM((_CH, H), dtype),
            pltpu.VMEM((_CH, H), dtype),
            pltpu.SemaphoreType.DMA,
            pltpu.SemaphoreType.DMA,
        ],
    )
    def sc_broadcast(table_hbm, out_hbm, buf0, buf1, buf2, rsem, wsem):
        wid = lax.axis_index("s") * num_cores + lax.axis_index("c")
        base = wid * rows_w
        bufs = (buf0, buf1, buf2)
        nbuf = len(bufs)
        rcps = {}
        for i in range(min(nbuf - 1, n_chunks)):
            rcps[i] = pltpu.async_copy(
                table_hbm.at[pl.ds(base + i * _CH, _CH)], bufs[i % nbuf], rsem
            )
        pending = None
        for i in range(n_chunks):
            rcps.pop(i).wait()
            buf = bufs[i % nbuf]
            r0 = base + i * _CH
            wcps = [
                pltpu.async_copy(buf, out_hbm.at[b, pl.ds(r0, _CH)], wsem)
                for b in range(B)
            ]
            if pending is not None:
                for w in pending:
                    w.wait()
            if i + nbuf - 1 < n_chunks:
                j = i + nbuf - 1
                rcps[j] = pltpu.async_copy(
                    table_hbm.at[pl.ds(base + j * _CH, _CH)], bufs[j % nbuf], rsem
                )
            pending = wcps
        for w in pending:
            w.wait()

    return sc_broadcast


def kernel(x, table):
    B, S = x.shape
    M, H = table.shape
    return _make_sc_broadcast(B, S, H, table.dtype)(table)

# --- scband reference (transcript-rebuilt; emitter-appended) ---
"""Pipeline reference for scband-learned-positional-encoding-4587025072345 (READ-ONLY COPY).

The authoritative reference and input builder live on the scoring server;
editing this copy changes nothing except your own understanding.
"""

import jax, jax.numpy as jnp
import numpy as np

MAX_LEN = 8192
HIDDEN = 1024
BATCH = 4
SEQ = 8192

def setup_inputs(seed: int = 0) -> dict:
    key = jax.random.key(seed)
    k1, k2 = jax.random.split(key)
    x = jax.random.randint(k1, (BATCH, SEQ), 0, MAX_LEN, dtype=jnp.int64 if jax.config.jax_enable_x64 else jnp.int32)
    table = jax.random.normal(k2, (MAX_LEN, HIDDEN), dtype=jnp.float32) * 0.02
    return {"x": x, "table": table}

def reference(x, table):
    B, S = x.shape
    position_ids = jnp.arange(S, dtype=x.dtype)
    position_ids = jnp.broadcast_to(position_ids[None, :], (B, S))
    # embedding lookup: gather rows of the positional table
    return jnp.take(table, position_ids, axis=0)

if __name__ == "__main__":
    import jax
    _d = setup_inputs()
    print(jax.jit(kernel)(*tuple(_d.values())))

</pallas_src>

<mosaic_0001>
#map = affine_map<(d0, d1) -> (0, 0)>
#map1 = affine_map<(d0, d1) -> (0, 0, 0)>
module attributes {stable_mosaic.version = 14 : i64} {
  func.func @sc_broadcast(%arg0: i32, %arg1: i32, %arg2: memref<8192x1024xf32, #tpu.memory_space<hbm>>, %arg3: memref<4x8192x1024xf32, #tpu.memory_space<hbm>>, %arg4: memref<32x1024xf32, #tpu.memory_space<vmem>>, %arg5: memref<32x1024xf32, #tpu.memory_space<vmem>>, %arg6: memref<32x1024xf32, #tpu.memory_space<vmem>>, %arg7: memref<!tpu.dma_semaphore, #tpu.memory_space<semaphore_mem>>, %arg8: memref<!tpu.dma_semaphore, #tpu.memory_space<semaphore_mem>>) attributes {dimension_semantics = [#tpu.dimension_semantics<core_parallel>, #tpu.dimension_semantics<subcore_parallel>], iteration_bounds = array<i64: 2, 16>, scalar_prefetch = 0 : i64, scratch_operands = 5 : i64, tpu.core_type = #tpu.core_type<sc_vector_subcore>, window_params = [{transform_indices = #map}, {transform_indices = #map1}]} {
    %mul3A = arith.constant 2 : i32
    %mul3A_0 = arith.muli %arg1, %mul3A : i32
    %add3A = arith.addi %mul3A_0, %arg0 : i32
    %mul3A_1 = arith.constant 256 : i32
    %mul3A_2 = arith.muli %add3A, %mul3A_1 : i32
    %add3A_3 = arith.constant 0 : i32
    %add3A_4 = arith.addi %mul3A_2, %add3A_3 : i32
    %dma_start3A = arith.constant 0 : i32
    %dma_start3A_5 = tpu.memref_slice %arg2[%add3A_4, %dma_start3A] : memref<8192x1024xf32, #tpu.memory_space<hbm>> -> memref<32x1024xf32, #tpu.memory_space<hbm>>
    %dma_start3A_6 = arith.constant 0 : i32
    %dma_start3A_7 = tpu.memref_slice %arg2[%add3A_4, %dma_start3A_6] : memref<8192x1024xf32, #tpu.memory_space<hbm>> -> memref<32x1024xf32, #tpu.memory_space<hbm>>
    tpu.enqueue_dma source(%dma_start3A_7 : memref<32x1024xf32, #tpu.memory_space<hbm>>) target(%arg4 : memref<32x1024xf32, #tpu.memory_space<vmem>>) target_semaphore(%arg7 : memref<!tpu.dma_semaphore, #tpu.memory_space<semaphore_mem>>)
    %add3A_8 = arith.constant 32 : i32
    %add3A_9 = arith.addi %mul3A_2, %add3A_8 : i32
    %dma_start3A_10 = arith.constant 0 : i32
    %dma_start3A_11 = tpu.memref_slice %arg2[%add3A_9, %dma_start3A_10] : memref<8192x1024xf32, #tpu.memory_space<hbm>> -> memref<32x1024xf32, #tpu.memory_space<hbm>>
    %dma_start3A_12 = arith.constant 0 : i32
    %dma_start3A_13 = tpu.memref_slice %arg2[%add3A_9, %dma_start3A_12] : memref<8192x1024xf32, #tpu.memory_space<hbm>> -> memref<32x1024xf32, #tpu.memory_space<hbm>>
    tpu.enqueue_dma source(%dma_start3A_13 : memref<32x1024xf32, #tpu.memory_space<hbm>>) target(%arg5 : memref<32x1024xf32, #tpu.memory_space<vmem>>) target_semaphore(%arg7 : memref<!tpu.dma_semaphore, #tpu.memory_space<semaphore_mem>>)
    %dma_wait3A = arith.constant 0 : i32
    %dma_wait3A_14 = tpu.memref_slice %arg2[%add3A_4, %dma_wait3A] : memref<8192x1024xf32, #tpu.memory_space<hbm>> -> memref<32x1024xf32, #tpu.memory_space<hbm>>
    %dma_wait3A_15 = arith.constant 0 : i32
    %dma_wait3A_16 = tpu.memref_slice %arg2[%add3A_4, %dma_wait3A_15] : memref<8192x1024xf32, #tpu.memory_space<hbm>> -> memref<32x1024xf32, #tpu.memory_space<hbm>>
    tpu.wait_dma2 semaphore(%arg7 : memref<!tpu.dma_semaphore, #tpu.memory_space<semaphore_mem>>) src(%dma_wait3A_16 : memref<32x1024xf32, #tpu.memory_space<hbm>>) dst(%arg4 : memref<32x1024xf32, #tpu.memory_space<vmem>>)
    %add3A_17 = arith.constant 0 : i32
    %add3A_18 = arith.addi %mul3A_2, %add3A_17 : i32
    %dma_start3A_19 = arith.constant 0 : i32
    %dma_start3A_20 = arith.constant 0 : i32
    %dma_start3A_21 = tpu.memref_slice %arg3[%dma_start3A_19, %add3A_18, %dma_start3A_20] : memref<4x8192x1024xf32, #tpu.memory_space<hbm>> -> memref<1x32x1024xf32, #tpu.memory_space<hbm>>
    %dma_start3A_22 = tpu.memref_squeeze %dma_start3A_21 : memref<1x32x1024xf32, #tpu.memory_space<hbm>> -> memref<32x1024xf32, #tpu.memory_space<hbm>>
    %dma_start3A_23 = arith.constant 0 : i32
    %dma_start3A_24 = tpu.memref_slice %arg3[%dma_start3A_19, %add3A_18, %dma_start3A_23] : memref<4x8192x1024xf32, #tpu.memory_space<hbm>> -> memref<1x32x1024xf32, #tpu.memory_space<hbm>>
    %dma_start3A_25 = tpu.memref_squeeze %dma_start3A_24 : memref<1x32x1024xf32, #tpu.memory_space<hbm>> -> memref<32x1024xf32, #tpu.memory_space<hbm>>
    tpu.enqueue_dma source(%arg4 : memref<32x1024xf32, #tpu.memory_space<vmem>>) target(%dma_start3A_25 : memref<32x1024xf32, #tpu.memory_space<hbm>>) target_semaphore(%arg8 : memref<!tpu.dma_semaphore, #tpu.memory_space<semaphore_mem>>)
    %dma_start3A_26 = arith.constant 1 : i32
    %dma_start3A_27 = arith.constant 0 : i32
    %dma_start3A_28 = tpu.memref_slice %arg3[%dma_start3A_26, %add3A_18, %dma_start3A_27] : memref<4x8192x1024xf32, #tpu.memory_space<hbm>> -> memref<1x32x1024xf32, #tpu.memory_space<hbm>>
    %dma_start3A_29 = tpu.memref_squeeze %dma_start3A_28 : memref<1x32x1024xf32, #tpu.memory_space<hbm>> -> memref<32x1024xf32, #tpu.memory_space<hbm>>
    %dma_start3A_30 = arith.constant 0 : i32
    %dma_start3A_31 = tpu.memref_slice %arg3[%dma_start3A_26, %add3A_18, %dma_start3A_30] : memref<4x8192x1024xf32, #tpu.memory_space<hbm>> -> memref<1x32x1024xf32, #tpu.memory_space<hbm>>
    %dma_start3A_32 = tpu.memref_squeeze %dma_start3A_31 : memref<1x32x1024xf32, #tpu.memory_space<hbm>> -> memref<32x1024xf32, #tpu.memory_space<hbm>>
    tpu.enqueue_dma source(%arg4 : memref<32x1024xf32, #tpu.memory_space<vmem>>) target(%dma_start3A_32 : memref<32x1024xf32, #tpu.memory_space<hbm>>) target_semaphore(%arg8 : memref<!tpu.dma_semaphore, #tpu.memory_space<semaphore_mem>>)
    %dma_start3A_33 = arith.constant 2 : i32
    %dma_start3A_34 = arith.constant 0 : i32
    %dma_start3A_35 = tpu.memref_slice %arg3[%dma_start3A_33, %add3A_18, %dma_start3A_34] : memref<4x8192x1024xf32, #tpu.memory_space<hbm>> -> memref<1x32x1024xf32, #tpu.memory_space<hbm>>
    %dma_start3A_36 = tpu.memref_squeeze %dma_start3A_35 : memref<1x32x1024xf32, #tpu.memory_space<hbm>> -> memref<32x1024xf32, #tpu.memory_space<hbm>>
    %dma_start3A_37 = arith.constant 0 : i32
    %dma_start3A_38 = tpu.memref_slice %arg3[%dma_start3A_33, %add3A_18, %dma_start3A_37] : memref<4x8192x1024xf32, #tpu.memory_space<hbm>> -> memref<1x32x1024xf32, #tpu.memory_space<hbm>>
    %dma_start3A_39 = tpu.memref_squeeze %dma_start3A_38 : memref<1x32x1024xf32, #tpu.memory_space<hbm>> -> memref<32x1024xf32, #tpu.memory_space<hbm>>
    tpu.enqueue_dma source(%arg4 : memref<32x1024xf32, #tpu.memory_space<vmem>>) target(%dma_start3A_39 : memref<32x1024xf32, #tpu.memory_space<hbm>>) target_semaphore(%arg8 : memref<!tpu.dma_semaphore, #tpu.memory_space<semaphore_mem>>)
    %dma_start3A_40 = arith.constant 3 : i32
    %dma_start3A_41 = arith.constant 0 : i32
    %dma_start3A_42 = tpu.memref_slice %arg3[%dma_start3A_40, %add3A_18, %dma_start3A_41] : memref<4x8192x1024xf32, #tpu.memory_space<hbm>> -> memref<1x32x1024xf32, #tpu.memory_space<hbm>>
    %dma_start3A_43 = tpu.memref_squeeze %dma_start3A_42 : memref<1x32x1024xf32, #tpu.memory_space<hbm>> -> memref<32x1024xf32, #tpu.memory_space<hbm>>
    %dma_start3A_44 = arith.constant 0 : i32
    %dma_start3A_45 = tpu.memref_slice %arg3[%dma_start3A_40, %add3A_18, %dma_start3A_44] : memref<4x8192x1024xf32, #tpu.memory_space<hbm>> -> memref<1x32x1024xf32, #tpu.memory_space<hbm>>
    %dma_start3A_46 = tpu.memref_squeeze %dma_start3A_45 : memref<1x32x1024xf32, #tpu.memory_space<hbm>> -> memref<32x1024xf32, #tpu.memory_space<hbm>>
    tpu.enqueue_dma source(%arg4 : memref<32x1024xf32, #tpu.memory_space<vmem>>) target(%dma_start3A_46 : memref<32x1024xf32, #tpu.memory_space<hbm>>) target_semaphore(%arg8 : memref<!tpu.dma_semaphore, #tpu.memory_space<semaphore_mem>>)
    %add3A_47 = arith.constant 64 : i32
    %add3A_48 = arith.addi %mul3A_2, %add3A_47 : i32
    %dma_start3A_49 = arith.constant 0 : i32
    %dma_start3A_50 = tpu.memref_slice %arg2[%add3A_48, %dma_start3A_49] : memref<8192x1024xf32, #tpu.memory_space<hbm>> -> memref<32x1024xf32, #tpu.memory_space<hbm>>
    %dma_start3A_51 = arith.constant 0 : i32
    %dma_start3A_52 = tpu.memref_slice %arg2[%add3A_48, %dma_start3A_51] : memref<8192x1024xf32, #tpu.memory_space<hbm>> -> memref<32x1024xf32, #tpu.memory_space<hbm>>
    tpu.enqueue_dma source(%dma_start3A_52 : memref<32x1024xf32, #tpu.memory_space<hbm>>) target(%arg6 : memref<32x1024xf32, #tpu.memory_space<vmem>>) target_semaphore(%arg7 : memref<!tpu.dma_semaphore, #tpu.memory_space<semaphore_mem>>)
    %dma_wait3A_53 = arith.constant 0 : i32
    %dma_wait3A_54 = tpu.memref_slice %arg2[%add3A_9, %dma_wait3A_53] : memref<8192x1024xf32, #tpu.memory_space<hbm>> -> memref<32x1024xf32, #tpu.memory_space<hbm>>
    %dma_wait3A_55 = arith.constant 0 : i32
    %dma_wait3A_56 = tpu.memref_slice %arg2[%add3A_9, %dma_wait3A_55] : memref<8192x1024xf32, #tpu.memory_space<hbm>> -> memref<32x1024xf32, #tpu.memory_space<hbm>>
    tpu.wait_dma2 semaphore(%arg7 : memref<!tpu.dma_semaphore, #tpu.memory_space<semaphore_mem>>) src(%dma_wait3A_56 : memref<32x1024xf32, #tpu.memory_space<hbm>>) dst(%arg5 : memref<32x1024xf32, #tpu.memory_space<vmem>>)
    %add3A_57 = arith.constant 32 : i32
    %add3A_58 = arith.addi %mul3A_2, %add3A_57 : i32
    %dma_start3A_59 = arith.constant 0 : i32
    %dma_start3A_60 = arith.constant 0 : i32
    %dma_start3A_61 = tpu.memref_slice %arg3[%dma_start3A_59, %add3A_58, %dma_start3A_60] : memref<4x8192x1024xf32, #tpu.memory_space<hbm>> -> memref<1x32x1024xf32, #tpu.memory_space<hbm>>
    %dma_start3A_62 = tpu.memref_squeeze %dma_start3A_61 : memref<1x32x1024xf32, #tpu.memory_space<hbm>> -> memref<32x1024xf32, #tpu.memory_space<hbm>>
    %dma_start3A_63 = arith.constant 0 : i32
    %dma_start3A_64 = tpu.memref_slice %arg3[%dma_start3A_59, %add3A_58, %dma_start3A_63] : memref<4x8192x1024xf32, #tpu.memory_space<hbm>> -> memref<1x32x1024xf32, #tpu.memory_space<hbm>>
    %dma_start3A_65 = tpu.memref_squeeze %dma_start3A_64 : memref<1x32x1024xf32, #tpu.memory_space<hbm>> -> memref<32x1024xf32, #tpu.memory_space<hbm>>
    tpu.enqueue_dma source(%arg5 : memref<32x1024xf32, #tpu.memory_space<vmem>>) target(%dma_start3A_65 : memref<32x1024xf32, #tpu.memory_space<hbm>>) target_semaphore(%arg8 : memref<!tpu.dma_semaphore, #tpu.memory_space<semaphore_mem>>)
    %dma_start3A_66 = arith.constant 1 : i32
    %dma_start3A_67 = arith.constant 0 : i32
    %dma_start3A_68 = tpu.memref_slice %arg3[%dma_start3A_66, %add3A_58, %dma_start3A_67] : memref<4x8192x1024xf32, #tpu.memory_space<hbm>> -> memref<1x32x1024xf32, #tpu.memory_space<hbm>>
    %dma_start3A_69 = tpu.memref_squeeze %dma_start3A_68 : memref<1x32x1024xf32, #tpu.memory_space<hbm>> -> memref<32x1024xf32, #tpu.memory_space<hbm>>
    %dma_start3A_70 = arith.constant 0 : i32
    %dma_start3A_71 = tpu.memref_slice %arg3[%dma_start3A_66, %add3A_58, %dma_start3A_70] : memref<4x8192x1024xf32, #tpu.memory_space<hbm>> -> memref<1x32x1024xf32, #tpu.memory_space<hbm>>
    %dma_start3A_72 = tpu.memref_squeeze %dma_start3A_71 : memref<1x32x1024xf32, #tpu.memory_space<hbm>> -> memref<32x1024xf32, #tpu.memory_space<hbm>>
    tpu.enqueue_dma source(%arg5 : memref<32x1024xf32, #tpu.memory_space<vmem>>) target(%dma_start3A_72 : memref<32x1024xf32, #tpu.memory_space<hbm>>) target_semaphore(%arg8 : memref<!tpu.dma_semaphore, #tpu.memory_space<semaphore_mem>>)
    %dma_start3A_73 = arith.constant 2 : i32
    %dma_start3A_74 = arith.constant 0 : i32
    %dma_start3A_75 = tpu.memref_slice %arg3[%dma_start3A_73, %add3A_58, %dma_start3A_74] : memref<4x8192x1024xf32, #tpu.memory_space<hbm>> -> memref<1x32x1024xf32, #tpu.memory_space<hbm>>
    %dma_start3A_76 = tpu.memref_squeeze %dma_start3A_75 : memref<1x32x1024xf32, #tpu.memory_space<hbm>> -> memref<32x1024xf32, #tpu.memory_space<hbm>>
    %dma_start3A_77 = arith.constant 0 : i32
    %dma_start3A_78 = tpu.memref_slice %arg3[%dma_start3A_73, %add3A_58, %dma_start3A_77] : memref<4x8192x1024xf32, #tpu.memory_space<hbm>> -> memref<1x32x1024xf32, #tpu.memory_space<hbm>>
    %dma_start3A_79 = tpu.memref_squeeze %dma_start3A_78 : memref<1x32x1024xf32, #tpu.memory_space<hbm>> -> memref<32x1024xf32, #tpu.memory_space<hbm>>
    tpu.enqueue_dma source(%arg5 : memref<32x1024xf32, #tpu.memory_space<vmem>>) target(%dma_start3A_79 : memref<32x1024xf32, #tpu.memory_space<hbm>>) target_semaphore(%arg8 : memref<!tpu.dma_semaphore, #tpu.memory_space<semaphore_mem>>)
    %dma_start3A_80 = arith.constant 3 : i32
    %dma_start3A_81 = arith.constant 0 : i32
    %dma_start3A_82 = tpu.memref_slice %arg3[%dma_start3A_80, %add3A_58, %dma_start3A_81] : memref<4x8192x1024xf32, #tpu.memory_space<hbm>> -> memref<1x32x1024xf32, #tpu.memory_space<hbm>>
    %dma_start3A_83 = tpu.memref_squeeze %dma_start3A_82 : memref<1x32x1024xf32, #tpu.memory_space<hbm>> -> memref<32x1024xf32, #tpu.memory_space<hbm>>
    %dma_start3A_84 = arith.constant 0 : i32
    %dma_start3A_85 = tpu.memref_slice %arg3[%dma_start3A_80, %add3A_58, %dma_start3A_84] : memref<4x8192x1024xf32, #tpu.memory_space<hbm>> -> memref<1x32x1024xf32, #tpu.memory_space<hbm>>
    %dma_start3A_86 = tpu.memref_squeeze %dma_start3A_85 : memref<1x32x1024xf32, #tpu.memory_space<hbm>> -> memref<32x1024xf32, #tpu.memory_space<hbm>>
    tpu.enqueue_dma source(%arg5 : memref<32x1024xf32, #tpu.memory_space<vmem>>) target(%dma_start3A_86 : memref<32x1024xf32, #tpu.memory_space<hbm>>) target_semaphore(%arg8 : memref<!tpu.dma_semaphore, #tpu.memory_space<semaphore_mem>>)
    %dma_wait3A_87 = arith.constant 0 : i32
    %dma_wait3A_88 = arith.constant 0 : i32
    %dma_wait3A_89 = tpu.memref_slice %arg3[%dma_wait3A_87, %add3A_18, %dma_wait3A_88] : memref<4x8192x1024xf32, #tpu.memory_space<hbm>> -> memref<1x32x1024xf32, #tpu.memory_space<hbm>>
    %dma_wait3A_90 = tpu.memref_squeeze %dma_wait3A_89 : memref<1x32x1024xf32, #tpu.memory_space<hbm>> -> memref<32x1024xf32, #tpu.memory_space<hbm>>
    %dma_wait3A_91 = arith.constant 0 : i32
    %dma_wait3A_92 = tpu.memref_slice %arg3[%dma_wait3A_87, %add3A_18, %dma_wait3A_91] : memref<4x8192x1024xf32, #tpu.memory_space<hbm>> -> memref<1x32x1024xf32, #tpu.memory_space<hbm>>
    %dma_wait3A_93 = tpu.memref_squeeze %dma_wait3A_92 : memref<1x32x1024xf32, #tpu.memory_space<hbm>> -> memref<32x1024xf32, #tpu.memory_space<hbm>>
    tpu.wait_dma2 semaphore(%arg8 : memref<!tpu.dma_semaphore, #tpu.memory_space<semaphore_mem>>) src(%arg4 : memref<32x1024xf32, #tpu.memory_space<vmem>>) dst(%dma_wait3A_93 : memref<32x1024xf32, #tpu.memory_space<hbm>>)
    %dma_wait3A_94 = arith.constant 1 : i32
    %dma_wait3A_95 = arith.constant 0 : i32
    %dma_wait3A_96 = tpu.memref_slice %arg3[%dma_wait3A_94, %add3A_18, %dma_wait3A_95] : memref<4x8192x1024xf32, #tpu.memory_space<hbm>> -> memref<1x32x1024xf32, #tpu.memory_space<hbm>>
    %dma_wait3A_97 = tpu.memref_squeeze %dma_wait3A_96 : memref<1x32x1024xf32, #tpu.memory_space<hbm>> -> memref<32x1024xf32, #tpu.memory_space<hbm>>
    %dma_wait3A_98 = arith.constant 0 : i32
    %dma_wait3A_99 = tpu.memref_slice %arg3[%dma_wait3A_94, %add3A_18, %dma_wait3A_98] : memref<4x8192x1024xf32, #tpu.memory_space<hbm>> -> memref<1x32x1024xf32, #tpu.memory_space<hbm>>
    %dma_wait3A_100 = tpu.memref_squeeze %dma_wait3A_99 : memref<1x32x1024xf32, #tpu.memory_space<hbm>> -> memref<32x1024xf32, #tpu.memory_space<hbm>>
    tpu.wait_dma2 semaphore(%arg8 : memref<!tpu.dma_semaphore, #tpu.memory_space<semaphore_mem>>) src(%arg4 : memref<32x1024xf32, #tpu.memory_space<vmem>>) dst(%dma_wait3A_100 : memref<32x1024xf32, #tpu.memory_space<hbm>>)
    %dma_wait3A_101 = arith.constant 2 : i32
    %dma_wait3A_102 = arith.constant 0 : i32
    %dma_wait3A_103 = tpu.memref_slice %arg3[%dma_wait3A_101, %add3A_18, %dma_wait3A_102] : memref<4x8192x1024xf32, #tpu.memory_space<hbm>> -> memref<1x32x1024xf32, #tpu.memory_space<hbm>>
    %dma_wait3A_104 = tpu.memref_squeeze %dma_wait3A_103 : memref<1x32x1024xf32, #tpu.memory_space<hbm>> -> memref<32x1024xf32, #tpu.memory_space<hbm>>
    %dma_wait3A_105 = arith.constant 0 : i32
    %dma_wait3A_106 = tpu.memref_slice %arg3[%dma_wait3A_101, %add3A_18, %dma_wait3A_105] : memref<4x8192x1024xf32, #tpu.memory_space<hbm>> -> memref<1x32x1024xf32, #tpu.memory_space<hbm>>
    %dma_wait3A_107 = tpu.memref_squeeze %dma_wait3A_106 : memref<1x32x1024xf32, #tpu.memory_space<hbm>> -> memref<32x1024xf32, #tpu.memory_space<hbm>>
    tpu.wait_dma2 semaphore(%arg8 : memref<!tpu.dma_semaphore, #tpu.memory_space<semaphore_mem>>) src(%arg4 : memref<32x1024xf32, #tpu.memory_space<vmem>>) dst(%dma_wait3A_107 : memref<32x1024xf32, #tpu.memory_space<hbm>>)
    %dma_wait3A_108 = arith.constant 3 : i32
    %dma_wait3A_109 = arith.constant 0 : i32
    %dma_wait3A_110 = tpu.memref_slice %arg3[%dma_wait3A_108, %add3A_18, %dma_wait3A_109] : memref<4x8192x1024xf32, #tpu.memory_space<hbm>> -> memref<1x32x1024xf32, #tpu.memory_space<hbm>>
    %dma_wait3A_111 = tpu.memref_squeeze %dma_wait3A_110 : memref<1x32x1024xf32, #tpu.memory_space<hbm>> -> memref<32x1024xf32, #tpu.memory_space<hbm>>
    %dma_wait3A_112 = arith.constant 0 : i32
    %dma_wait3A_113 = tpu.memref_slice %arg3[%dma_wait3A_108, %add3A_18, %dma_wait3A_112] : memref<4x8192x1024xf32, #tpu.memory_space<hbm>> -> memref<1x32x1024xf32, #tpu.memory_space<hbm>>
    %dma_wait3A_114 = tpu.memref_squeeze %dma_wait3A_113 : memref<1x32x1024xf32, #tpu.memory_space<hbm>> -> memref<32x1024xf32, #tpu.memory_space<hbm>>
    tpu.wait_dma2 semaphore(%arg8 : memref<!tpu.dma_semaphore, #tpu.memory_space<semaphore_mem>>) src(%arg4 : memref<32x1024xf32, #tpu.memory_space<vmem>>) dst(%dma_wait3A_114 : memref<32x1024xf32, #tpu.memory_space<hbm>>)
    %add3A_115 = arith.constant 96 : i32
    %add3A_116 = arith.addi %mul3A_2, %add3A_115 : i32
    %dma_start3A_117 = arith.constant 0 : i32
    %dma_start3A_118 = tpu.memref_slice %arg2[%add3A_116, %dma_start3A_117] : memref<8192x1024xf32, #tpu.memory_space<hbm>> -> memref<32x1024xf32, #tpu.memory_space<hbm>>
    %dma_start3A_119 = arith.constant 0 : i32
    %dma_start3A_120 = tpu.memref_slice %arg2[%add3A_116, %dma_start3A_119] : memref<8192x1024xf32, #tpu.memory_space<hbm>> -> memref<32x1024xf32, #tpu.memory_space<hbm>>
    tpu.enqueue_dma source(%dma_start3A_120 : memref<32x1024xf32, #tpu.memory_space<hbm>>) target(%arg4 : memref<32x1024xf32, #tpu.memory_space<vmem>>) target_semaphore(%arg7 : memref<!tpu.dma_semaphore, #tpu.memory_space<semaphore_mem>>)
    %dma_wait3A_121 = arith.constant 0 : i32
    %dma_wait3A_122 = tpu.memref_slice %arg2[%add3A_48, %dma_wait3A_121] : memref<8192x1024xf32, #tpu.memory_space<hbm>> -> memref<32x1024xf32, #tpu.memory_space<hbm>>
    %dma_wait3A_123 = arith.constant 0 : i32
    %dma_wait3A_124 = tpu.memref_slice %arg2[%add3A_48, %dma_wait3A_123] : memref<8192x1024xf32, #tpu.memory_space<hbm>> -> memref<32x1024xf32, #tpu.memory_space<hbm>>
    tpu.wait_dma2 semaphore(%arg7 : memref<!tpu.dma_semaphore, #tpu.memory_space<semaphore_mem>>) src(%dma_wait3A_124 : memref<32x1024xf32, #tpu.memory_space<hbm>>) dst(%arg6 : memref<32x1024xf32, #tpu.memory_space<vmem>>)
    %add3A_125 = arith.constant 64 : i32
    %add3A_126 = arith.addi %mul3A_2, %add3A_125 : i32
    %dma_start3A_127 = arith.constant 0 : i32
    %dma_start3A_128 = arith.constant 0 : i32
    %dma_start3A_129 = tpu.memref_slice %arg3[%dma_start3A_127, %add3A_126, %dma_start3A_128] : memref<4x8192x1024xf32, #tpu.memory_space<hbm>> -> memref<1x32x1024xf32, #tpu.memory_space<hbm>>
    %dma_start3A_130 = tpu.memref_squeeze %dma_start3A_129 : memref<1x32x1024xf32, #tpu.memory_space<hbm>> -> memref<32x1024xf32, #tpu.memory_space<hbm>>
    %dma_start3A_131 = arith.constant 0 : i32
    %dma_start3A_132 = tpu.memref_slice %arg3[%dma_start3A_127, %add3A_126, %dma_start3A_131] : memref<4x8192x1024xf32, #tpu.memory_space<hbm>> -> memref<1x32x1024xf32, #tpu.memory_space<hbm>>
    %dma_start3A_133 = tpu.memref_squeeze %dma_start3A_132 : memref<1x32x1024xf32, #tpu.memory_space<hbm>> -> memref<32x1024xf32, #tpu.memory_space<hbm>>
    tpu.enqueue_dma source(%arg6 : memref<32x1024xf32, #tpu.memory_space<vmem>>) target(%dma_start3A_133 : memref<32x1024xf32, #tpu.memory_space<hbm>>) target_semaphore(%arg8 : memref<!tpu.dma_semaphore, #tpu.memory_space<semaphore_mem>>)
    %dma_start3A_134 = arith.constant 1 : i32
    %dma_start3A_135 = arith.constant 0 : i32
    %dma_start3A_136 = tpu.memref_slice %arg3[%dma_start3A_134, %add3A_126, %dma_start3A_135] : memref<4x8192x1024xf32, #tpu.memory_space<hbm>> -> memref<1x32x1024xf32, #tpu.memory_space<hbm>>
    %dma_start3A_137 = tpu.memref_squeeze %dma_start3A_136 : memref<1x32x1024xf32, #tpu.memory_space<hbm>> -> memref<32x1024xf32, #tpu.memory_space<hbm>>
    %dma_start3A_138 = arith.constant 0 : i32
    %dma_start3A_139 = tpu.memref_slice %arg3[%dma_start3A_134, %add3A_126, %dma_start3A_138] : memref<4x8192x1024xf32, #tpu.memory_space<hbm>> -> memref<1x32x1024xf32, #tpu.memory_space<hbm>>
    %dma_start3A_140 = tpu.memref_squeeze %dma_start3A_139 : memref<1x32x1024xf32, #tpu.memory_space<hbm>> -> memref<32x1024xf32, #tpu.memory_space<hbm>>
    tpu.enqueue_dma source(%arg6 : memref<32x1024xf32, #tpu.memory_space<vmem>>) target(%dma_start3A_140 : memref<32x1024xf32, #tpu.memory_space<hbm>>) target_semaphore(%arg8 : memref<!tpu.dma_semaphore, #tpu.memory_space<semaphore_mem>>)
    %dma_start3A_141 = arith.constant 2 : i32
    %dma_start3A_142 = arith.constant 0 : i32
    %dma_start3A_143 = tpu.memref_slice %arg3[%dma_start3A_141, %add3A_126, %dma_start3A_142] : memref<4x8192x1024xf32, #tpu.memory_space<hbm>> -> memref<1x32x1024xf32, #tpu.memory_space<hbm>>
    %dma_start3A_144 = tpu.memref_squeeze %dma_start3A_143 : memref<1x32x1024xf32, #tpu.memory_space<hbm>> -> memref<32x1024xf32, #tpu.memory_space<hbm>>
    %dma_start3A_145 = arith.constant 0 : i32
    %dma_start3A_146 = tpu.memref_slice %arg3[%dma_start3A_141, %add3A_126, %dma_start3A_145] : memref<4x8192x1024xf32, #tpu.memory_space<hbm>> -> memref<1x32x1024xf32, #tpu.memory_space<hbm>>
    %dma_start3A_147 = tpu.memref_squeeze %dma_start3A_146 : memref<1x32x1024xf32, #tpu.memory_space<hbm>> -> memref<32x1024xf32, #tpu.memory_space<hbm>>
    tpu.enqueue_dma source(%arg6 : memref<32x1024xf32, #tpu.memory_space<vmem>>) target(%dma_start3A_147 : memref<32x1024xf32, #tpu.memory_space<hbm>>) target_semaphore(%arg8 : memref<!tpu.dma_semaphore, #tpu.memory_space<semaphore_mem>>)
    %dma_start3A_148 = arith.constant 3 : i32
    %dma_start3A_149 = arith.constant 0 : i32
    %dma_start3A_150 = tpu.memref_slice %arg3[%dma_start3A_148, %add3A_126, %dma_start3A_149] : memref<4x8192x1024xf32, #tpu.memory_space<hbm>> -> memref<1x32x1024xf32, #tpu.memory_space<hbm>>
    %dma_start3A_151 = tpu.memref_squeeze %dma_start3A_150 : memref<1x32x1024xf32, #tpu.memory_space<hbm>> -> memref<32x1024xf32, #tpu.memory_space<hbm>>
    %dma_start3A_152 = arith.constant 0 : i32
    %dma_start3A_153 = tpu.memref_slice %arg3[%dma_start3A_148, %add3A_126, %dma_start3A_152] : memref<4x8192x1024xf32, #tpu.memory_space<hbm>> -> memref<1x32x1024xf32, #tpu.memory_space<hbm>>
    %dma_start3A_154 = tpu.memref_squeeze %dma_start3A_153 : memref<1x32x1024xf32, #tpu.memory_space<hbm>> -> memref<32x1024xf32, #tpu.memory_space<hbm>>
    tpu.enqueue_dma source(%arg6 : memref<32x1024xf32, #tpu.memory_space<vmem>>) target(%dma_start3A_154 : memref<32x1024xf32, #tpu.memory_space<hbm>>) target_semaphore(%arg8 : memref<!tpu.dma_semaphore, #tpu.memory_space<semaphore_mem>>)
    %dma_wait3A_155 = arith.constant 0 : i32
    %dma_wait3A_156 = arith.constant 0 : i32
    %dma_wait3A_157 = tpu.memref_slice %arg3[%dma_wait3A_155, %add3A_58, %dma_wait3A_156] : memref<4x8192x1024xf32, #tpu.memory_space<hbm>> -> memref<1x32x1024xf32, #tpu.memory_space<hbm>>
    %dma_wait3A_158 = tpu.memref_squeeze %dma_wait3A_157 : memref<1x32x1024xf32, #tpu.memory_space<hbm>> -> memref<32x1024xf32, #tpu.memory_space<hbm>>
    %dma_wait3A_159 = arith.constant 0 : i32
    %dma_wait3A_160 = tpu.memref_slice %arg3[%dma_wait3A_155, %add3A_58, %dma_wait3A_159] : memref<4x8192x1024xf32, #tpu.memory_space<hbm>> -> memref<1x32x1024xf32, #tpu.memory_space<hbm>>
    %dma_wait3A_161 = tpu.memref_squeeze %dma_wait3A_160 : memref<1x32x1024xf32, #tpu.memory_space<hbm>> -> memref<32x1024xf32, #tpu.memory_space<hbm>>
    tpu.wait_dma2 semaphore(%arg8 : memref<!tpu.dma_semaphore, #tpu.memory_space<semaphore_mem>>) src(%arg5 : memref<32x1024xf32, #tpu.memory_space<vmem>>) dst(%dma_wait3A_161 : memref<32x1024xf32, #tpu.memory_space<hbm>>)
    %dma_wait3A_162 = arith.constant 1 : i32
    %dma_wait3A_163 = arith.constant 0 : i32
    %dma_wait3A_164 = tpu.memref_slice %arg3[%dma_wait3A_162, %add3A_58, %dma_wait3A_163] : memref<4x8192x1024xf32, #tpu.memory_space<hbm>> -> memref<1x32x1024xf32, #tpu.memory_space<hbm>>
    %dma_wait3A_165 = tpu.memref_squeeze %dma_wait3A_164 : memref<1x32x1024xf32, #tpu.memory_space<hbm>> -> memref<32x1024xf32, #tpu.memory_space<hbm>>
    %dma_wait3A_166 = arith.constant 0 : i32
    %dma_wait3A_167 = tpu.memref_slice %arg3[%dma_wait3A_162, %add3A_58, %dma_wait3A_166] : memref<4x8192x1024xf32, #tpu.memory_space<hbm>> -> memref<1x32x1024xf32, #tpu.memory_space<hbm>>
    %dma_wait3A_168 = tpu.memref_squeeze %dma_wait3A_167 : memref<1x32x1024xf32, #tpu.memory_space<hbm>> -> memref<32x1024xf32, #tpu.memory_space<hbm>>
    tpu.wait_dma2 semaphore(%arg8 : memref<!tpu.dma_semaphore, #tpu.memory_space<semaphore_mem>>) src(%arg5 : memref<32x1024xf32, #tpu.memory_space<vmem>>) dst(%dma_wait3A_168 : memref<32x1024xf32, #tpu.memory_space<hbm>>)
    %dma_wait3A_169 = arith.constant 2 : i32
    %dma_wait3A_170 = arith.constant 0 : i32
    %dma_wait3A_171 = tpu.memref_slice %arg3[%dma_wait3A_169, %add3A_58, %dma_wait3A_170] : memref<4x8192x1024xf32, #tpu.memory_space<hbm>> -> memref<1x32x1024xf32, #tpu.memory_space<hbm>>
    %dma_wait3A_172 = tpu.memref_squeeze %dma_wait3A_171 : memref<1x32x1024xf32, #tpu.memory_space<hbm>> -> memref<32x1024xf32, #tpu.memory_space<hbm>>
    %dma_wait3A_173 = arith.constant 0 : i32
    %dma_wait3A_174 = tpu.memref_slice %arg3[%dma_wait3A_169, %add3A_58, %dma_wait3A_173] : memref<4x8192x1024xf32, #tpu.memory_space<hbm>> -> memref<1x32x1024xf32, #tpu.memory_space<hbm>>
    %dma_wait3A_175 = tpu.memref_squeeze %dma_wait3A_174 : memref<1x32x1024xf32, #tpu.memory_space<hbm>> -> memref<32x1024xf32, #tpu.memory_space<hbm>>
    tpu.wait_dma2 semaphore(%arg8 : memref<!tpu.dma_semaphore, #tpu.memory_space<semaphore_mem>>) src(%arg5 : memref<32x1024xf32, #tpu.memory_space<vmem>>) dst(%dma_wait3A_175 : memref<32x1024xf32, #tpu.memory_space<hbm>>)
    %dma_wait3A_176 = arith.constant 3 : i32
    %dma_wait3A_177 = arith.constant 0 : i32
    %dma_wait3A_178 = tpu.memref_slice %arg3[%dma_wait3A_176, %add3A_58, %dma_wait3A_177] : memref<4x8192x1024xf32, #tpu.memory_space<hbm>> -> memref<1x32x1024xf32, #tpu.memory_space<hbm>>
    %dma_wait3A_179 = tpu.memref_squeeze %dma_wait3A_178 : memref<1x32x1024xf32, #tpu.memory_space<hbm>> -> memref<32x1024xf32, #tpu.memory_space<hbm>>
    %dma_wait3A_180 = arith.constant 0 : i32
    %dma_wait3A_181 = tpu.memref_slice %arg3[%dma_wait3A_176, %add3A_58, %dma_wait3A_180] : memref<4x8192x1024xf32, #tpu.memory_space<hbm>> -> memref<1x32x1024xf32, #tpu.memory_space<hbm>>
    %dma_wait3A_182 = tpu.memref_squeeze %dma_wait3A_181 : memref<1x32x1024xf32, #tpu.memory_space<hbm>> -> memref<32x1024xf32, #tpu.memory_space<hbm>>
    tpu.wait_dma2 semaphore(%arg8 : memref<!tpu.dma_semaphore, #tpu.memory_space<semaphore_mem>>) src(%arg5 : memref<32x1024xf32, #tpu.memory_space<vmem>>) dst(%dma_wait3A_182 : memref<32x1024xf32, #tpu.memory_space<hbm>>)
    %add3A_183 = arith.constant 128 : i32
    %add3A_184 = arith.addi %mul3A_2, %add3A_183 : i32
    %dma_start3A_185 = arith.constant 0 : i32
    %dma_start3A_186 = tpu.memref_slice %arg2[%add3A_184, %dma_start3A_185] : memref<8192x1024xf32, #tpu.memory_space<hbm>> -> memref<32x1024xf32, #tpu.memory_space<hbm>>
    %dma_start3A_187 = arith.constant 0 : i32
    %dma_start3A_188 = tpu.memref_slice %arg2[%add3A_184, %dma_start3A_187] : memref<8192x1024xf32, #tpu.memory_space<hbm>> -> memref<32x1024xf32, #tpu.memory_space<hbm>>
    tpu.enqueue_dma source(%dma_start3A_188 : memref<32x1024xf32, #tpu.memory_space<hbm>>) target(%arg5 : memref<32x1024xf32, #tpu.memory_space<vmem>>) target_semaphore(%arg7 : memref<!tpu.dma_semaphore, #tpu.memory_space<semaphore_mem>>)
    %dma_wait3A_189 = arith.constant 0 : i32
    %dma_wait3A_190 = tpu.memref_slice %arg2[%add3A_116, %dma_wait3A_189] : memref<8192x1024xf32, #tpu.memory_space<hbm>> -> memref<32x1024xf32, #tpu.memory_space<hbm>>
    %dma_wait3A_191 = arith.constant 0 : i32
    %dma_wait3A_192 = tpu.memref_slice %arg2[%add3A_116, %dma_wait3A_191] : memref<8192x1024xf32, #tpu.memory_space<hbm>> -> memref<32x1024xf32, #tpu.memory_space<hbm>>
    tpu.wait_dma2 semaphore(%arg7 : memref<!tpu.dma_semaphore, #tpu.memory_space<semaphore_mem>>) src(%dma_wait3A_192 : memref<32x1024xf32, #tpu.memory_space<hbm>>) dst(%arg4 : memref<32x1024xf32, #tpu.memory_space<vmem>>)
    %add3A_193 = arith.constant 96 : i32
    %add3A_194 = arith.addi %mul3A_2, %add3A_193 : i32
    %dma_start3A_195 = arith.constant 0 : i32
    %dma_start3A_196 = arith.constant 0 : i32
    %dma_start3A_197 = tpu.memref_slice %arg3[%dma_start3A_195, %add3A_194, %dma_start3A_196] : memref<4x8192x1024xf32, #tpu.memory_space<hbm>> -> memref<1x32x1024xf32, #tpu.memory_space<hbm>>
    %dma_start3A_198 = tpu.memref_squeeze %dma_start3A_197 : memref<1x32x1024xf32, #tpu.memory_space<hbm>> -> memref<32x1024xf32, #tpu.memory_space<hbm>>
    %dma_start3A_199 = arith.constant 0 : i32
    %dma_start3A_200 = tpu.memref_slice %arg3[%dma_start3A_195, %add3A_194, %dma_start3A_199] : memref<4x8192x1024xf32, #tpu.memory_space<hbm>> -> memref<1x32x1024xf32, #tpu.memory_space<hbm>>
    %dma_start3A_201 = tpu.memref_squeeze %dma_start3A_200 : memref<1x32x1024xf32, #tpu.memory_space<hbm>> -> memref<32x1024xf32, #tpu.memory_space<hbm>>
    tpu.enqueue_dma source(%arg4 : memref<32x1024xf32, #tpu.memory_space<vmem>>) target(%dma_start3A_201 : memref<32x1024xf32, #tpu.memory_space<hbm>>) target_semaphore(%arg8 : memref<!tpu.dma_semaphore, #tpu.memory_space<semaphore_mem>>)
    %dma_start3A_202 = arith.constant 1 : i32
    %dma_start3A_203 = arith.constant 0 : i32
    %dma_start3A_204 = tpu.memref_slice %arg3[%dma_start3A_202, %add3A_194, %dma_start3A_203] : memref<4x8192x1024xf32, #tpu.memory_space<hbm>> -> memref<1x32x1024xf32, #tpu.memory_space<hbm>>
    %dma_start3A_205 = tpu.memref_squeeze %dma_start3A_204 : memref<1x32x1024xf32, #tpu.memory_space<hbm>> -> memref<32x1024xf32, #tpu.memory_space<hbm>>
    %dma_start3A_206 = arith.constant 0 : i32
    %dma_start3A_207 = tpu.memref_slice %arg3[%dma_start3A_202, %add3A_194, %dma_start3A_206] : memref<4x8192x1024xf32, #tpu.memory_space<hbm>> -> memref<1x32x1024xf32, #tpu.memory_space<hbm>>
    %dma_start3A_208 = tpu.memref_squeeze %dma_start3A_207 : memref<1x32x1024xf32, #tpu.memory_space<hbm>> -> memref<32x1024xf32, #tpu.memory_space<hbm>>
    tpu.enqueue_dma source(%arg4 : memref<32x1024xf32, #tpu.memory_space<vmem>>) target(%dma_start3A_208 : memref<32x1024xf32, #tpu.memory_space<hbm>>) target_semaphore(%arg8 : memref<!tpu.dma_semaphore, #tpu.memory_space<semaphore_mem>>)
    %dma_start3A_209 = arith.constant 2 : i32
    %dma_start3A_210 = arith.constant 0 : i32
    %dma_start3A_211 = tpu.memref_slice %arg3[%dma_start3A_209, %add3A_194, %dma_start3A_210] : memref<4x8192x1024xf32, #tpu.memory_space<hbm>> -> memref<1x32x1024xf32, #tpu.memory_space<hbm>>
    %dma_start3A_212 = tpu.memref_squeeze %dma_start3A_211 : memref<1x32x1024xf32, #tpu.memory_space<hbm>> -> memref<32x1024xf32, #tpu.memory_space<hbm>>
    %dma_start3A_213 = arith.constant 0 : i32
    %dma_start3A_214 = tpu.memref_slice %arg3[%dma_start3A_209, %add3A_194, %dma_start3A_213] : memref<4x8192x1024xf32, #tpu.memory_space<hbm>> -> memref<1x32x1024xf32, #tpu.memory_space<hbm>>
    %dma_start3A_215 = tpu.memref_squeeze %dma_start3A_214 : memref<1x32x1024xf32, #tpu.memory_space<hbm>> -> memref<32x1024xf32, #tpu.memory_space<hbm>>
    tpu.enqueue_dma source(%arg4 : memref<32x1024xf32, #tpu.memory_space<vmem>>) target(%dma_start3A_215 : memref<32x1024xf32, #tpu.memory_space<hbm>>) target_semaphore(%arg8 : memref<!tpu.dma_semaphore, #tpu.memory_space<semaphore_mem>>)
    %dma_start3A_216 = arith.constant 3 : i32
    %dma_start3A_217 = arith.constant 0 : i32
    %dma_start3A_218 = tpu.memref_slice %arg3[%dma_start3A_216, %add3A_194, %dma_start3A_217] : memref<4x8192x1024xf32, #tpu.memory_space<hbm>> -> memref<1x32x1024xf32, #tpu.memory_space<hbm>>
    %dma_start3A_219 = tpu.memref_squeeze %dma_start3A_218 : memref<1x32x1024xf32, #tpu.memory_space<hbm>> -> memref<32x1024xf32, #tpu.memory_space<hbm>>
    %dma_start3A_220 = arith.constant 0 : i32
    %dma_start3A_221 = tpu.memref_slice %arg3[%dma_start3A_216, %add3A_194, %dma_start3A_220] : memref<4x8192x1024xf32, #tpu.memory_space<hbm>> -> memref<1x32x1024xf32, #tpu.memory_space<hbm>>
    %dma_start3A_222 = tpu.memref_squeeze %dma_start3A_221 : memref<1x32x1024xf32, #tpu.memory_space<hbm>> -> memref<32x1024xf32, #tpu.memory_space<hbm>>
    tpu.enqueue_dma source(%arg4 : memref<32x1024xf32, #tpu.memory_space<vmem>>) target(%dma_start3A_222 : memref<32x1024xf32, #tpu.memory_space<hbm>>) target_semaphore(%arg8 : memref<!tpu.dma_semaphore, #tpu.memory_space<semaphore_mem>>)
    %dma_wait3A_223 = arith.constant 0 : i32
    %dma_wait3A_224 = arith.constant 0 : i32
    %dma_wait3A_225 = tpu.memref_slice %arg3[%dma_wait3A_223, %add3A_126, %dma_wait3A_224] : memref<4x8192x1024xf32, #tpu.memory_space<hbm>> -> memref<1x32x1024xf32, #tpu.memory_space<hbm>>
    %dma_wait3A_226 = tpu.memref_squeeze %dma_wait3A_225 : memref<1x32x1024xf32, #tpu.memory_space<hbm>> -> memref<32x1024xf32, #tpu.memory_space<hbm>>
    %dma_wait3A_227 = arith.constant 0 : i32
    %dma_wait3A_228 = tpu.memref_slice %arg3[%dma_wait3A_223, %add3A_126, %dma_wait3A_227] : memref<4x8192x1024xf32, #tpu.memory_space<hbm>> -> memref<1x32x1024xf32, #tpu.memory_space<hbm>>
    %dma_wait3A_229 = tpu.memref_squeeze %dma_wait3A_228 : memref<1x32x1024xf32, #tpu.memory_space<hbm>> -> memref<32x1024xf32, #tpu.memory_space<hbm>>
    tpu.wait_dma2 semaphore(%arg8 : memref<!tpu.dma_semaphore, #tpu.memory_space<semaphore_mem>>) src(%arg6 : memref<32x1024xf32, #tpu.memory_space<vmem>>) dst(%dma_wait3A_229 : memref<32x1024xf32, #tpu.memory_space<hbm>>)
    %dma_wait3A_230 = arith.constant 1 : i32
    %dma_wait3A_231 = arith.constant 0 : i32
    %dma_wait3A_232 = tpu.memref_slice %arg3[%dma_wait3A_230, %add3A_126, %dma_wait3A_231] : memref<4x8192x1024xf32, #tpu.memory_space<hbm>> -> memref<1x32x1024xf32, #tpu.memory_space<hbm>>
    %dma_wait3A_233 = tpu.memref_squeeze %dma_wait3A_232 : memref<1x32x1024xf32, #tpu.memory_space<hbm>> -> memref<32x1024xf32, #tpu.memory_space<hbm>>
    %dma_wait3A_234 = arith.constant 0 : i32
    %dma_wait3A_235 = tpu.memref_slice %arg3[%dma_wait3A_230, %add3A_126, %dma_wait3A_234] : memref<4x8192x1024xf32, #tpu.memory_space<hbm>> -> memref<1x32x1024xf32, #tpu.memory_space<hbm>>
    %dma_wait3A_236 = tpu.memref_squeeze %dma_wait3A_235 : memref<1x32x1024xf32, #tpu.memory_space<hbm>> -> memref<32x1024xf32, #tpu.memory_space<hbm>>
    tpu.wait_dma2 semaphore(%arg8 : memref<!tpu.dma_semaphore, #tpu.memory_space<semaphore_mem>>) src(%arg6 : memref<32x1024xf32, #tpu.memory_space<vmem>>) dst(%dma_wait3A_236 : memref<32x1024xf32, #tpu.memory_space<hbm>>)
    %dma_wait3A_237 = arith.constant 2 : i32
    %dma_wait3A_238 = arith.constant 0 : i32
    %dma_wait3A_239 = tpu.memref_slice %arg3[%dma_wait3A_237, %add3A_126, %dma_wait3A_238] : memref<4x8192x1024xf32, #tpu.memory_space<hbm>> -> memref<1x32x1024xf32, #tpu.memory_space<hbm>>
    %dma_wait3A_240 = tpu.memref_squeeze %dma_wait3A_239 : memref<1x32x1024xf32, #tpu.memory_space<hbm>> -> memref<32x1024xf32, #tpu.memory_space<hbm>>
    %dma_wait3A_241 = arith.constant 0 : i32
    %dma_wait3A_242 = tpu.memref_slice %arg3[%dma_wait3A_237, %add3A_126, %dma_wait3A_241] : memref<4x8192x1024xf32, #tpu.memory_space<hbm>> -> memref<1x32x1024xf32, #tpu.memory_space<hbm>>
    %dma_wait3A_243 = tpu.memref_squeeze %dma_wait3A_242 : memref<1x32x1024xf32, #tpu.memory_space<hbm>> -> memref<32x1024xf32, #tpu.memory_space<hbm>>
    tpu.wait_dma2 semaphore(%arg8 : memref<!tpu.dma_semaphore, #tpu.memory_space<semaphore_mem>>) src(%arg6 : memref<32x1024xf32, #tpu.memory_space<vmem>>) dst(%dma_wait3A_243 : memref<32x1024xf32, #tpu.memory_space<hbm>>)
    %dma_wait3A_244 = arith.constant 3 : i32
    %dma_wait3A_245 = arith.constant 0 : i32
    %dma_wait3A_246 = tpu.memref_slice %arg3[%dma_wait3A_244, %add3A_126, %dma_wait3A_245] : memref<4x8192x1024xf32, #tpu.memory_space<hbm>> -> memref<1x32x1024xf32, #tpu.memory_space<hbm>>
    %dma_wait3A_247 = tpu.memref_squeeze %dma_wait3A_246 : memref<1x32x1024xf32, #tpu.memory_space<hbm>> -> memref<32x1024xf32, #tpu.memory_space<hbm>>
    %dma_wait3A_248 = arith.constant 0 : i32
    %dma_wait3A_249 = tpu.memref_slice %arg3[%dma_wait3A_244, %add3A_126, %dma_wait3A_248] : memref<4x8192x1024xf32, #tpu.memory_space<hbm>> -> memref<1x32x1024xf32, #tpu.memory_space<hbm>>
    %dma_wait3A_250 = tpu.memref_squeeze %dma_wait3A_249 : memref<1x32x1024xf32, #tpu.memory_space<hbm>> -> memref<32x1024xf32, #tpu.memory_space<hbm>>
    tpu.wait_dma2 semaphore(%arg8 : memref<!tpu.dma_semaphore, #tpu.memory_space<semaphore_mem>>) src(%arg6 : memref<32x1024xf32, #tpu.memory_space<vmem>>) dst(%dma_wait3A_250 : memref<32x1024xf32, #tpu.memory_space<hbm>>)
    %add3A_251 = arith.constant 160 : i32
    %add3A_252 = arith.addi %mul3A_2, %add3A_251 : i32
    %dma_start3A_253 = arith.constant 0 : i32
    %dma_start3A_254 = tpu.memref_slice %arg2[%add3A_252, %dma_start3A_253] : memref<8192x1024xf32, #tpu.memory_space<hbm>> -> memref<32x1024xf32, #tpu.memory_space<hbm>>
    %dma_start3A_255 = arith.constant 0 : i32
    %dma_start3A_256 = tpu.memref_slice %arg2[%add3A_252, %dma_start3A_255] : memref<8192x1024xf32, #tpu.memory_space<hbm>> -> memref<32x1024xf32, #tpu.memory_space<hbm>>
    tpu.enqueue_dma source(%dma_start3A_256 : memref<32x1024xf32, #tpu.memory_space<hbm>>) target(%arg6 : memref<32x1024xf32, #tpu.memory_space<vmem>>) target_semaphore(%arg7 : memref<!tpu.dma_semaphore, #tpu.memory_space<semaphore_mem>>)
    %dma_wait3A_257 = arith.constant 0 : i32
    %dma_wait3A_258 = tpu.memref_slice %arg2[%add3A_184, %dma_wait3A_257] : memref<8192x1024xf32, #tpu.memory_space<hbm>> -> memref<32x1024xf32, #tpu.memory_space<hbm>>
    %dma_wait3A_259 = arith.constant 0 : i32
    %dma_wait3A_260 = tpu.memref_slice %arg2[%add3A_184, %dma_wait3A_259] : memref<8192x1024xf32, #tpu.memory_space<hbm>> -> memref<32x1024xf32, #tpu.memory_space<hbm>>
    tpu.wait_dma2 semaphore(%arg7 : memref<!tpu.dma_semaphore, #tpu.memory_space<semaphore_mem>>) src(%dma_wait3A_260 : memref<32x1024xf32, #tpu.memory_space<hbm>>) dst(%arg5 : memref<32x1024xf32, #tpu.memory_space<vmem>>)
    %add3A_261 = arith.constant 128 : i32
    %add3A_262 = arith.addi %mul3A_2, %add3A_261 : i32
    %dma_start3A_263 = arith.constant 0 : i32
    %dma_start3A_264 = arith.constant 0 : i32
    %dma_start3A_265 = tpu.memref_slice %arg3[%dma_start3A_263, %add3A_262, %dma_start3A_264] : memref<4x8192x1024xf32, #tpu.memory_space<hbm>> -> memref<1x32x1024xf32, #tpu.memory_space<hbm>>
    %dma_start3A_266 = tpu.memref_squeeze %dma_start3A_265 : memref<1x32x1024xf32, #tpu.memory_space<hbm>> -> memref<32x1024xf32, #tpu.memory_space<hbm>>
    %dma_start3A_267 = arith.constant 0 : i32
    %dma_start3A_268 = tpu.memref_slice %arg3[%dma_start3A_263, %add3A_262, %dma_start3A_267] : memref<4x8192x1024xf32, #tpu.memory_space<hbm>> -> memref<1x32x1024xf32, #tpu.memory_space<hbm>>
    %dma_start3A_269 = tpu.memref_squeeze %dma_start3A_268 : memref<1x32x1024xf32, #tpu.memory_space<hbm>> -> memref<32x1024xf32, #tpu.memory_space<hbm>>
    tpu.enqueue_dma source(%arg5 : memref<32x1024xf32, #tpu.memory_space<vmem>>) target(%dma_start3A_269 : memref<32x1024xf32, #tpu.memory_space<hbm>>) target_semaphore(%arg8 : memref<!tpu.dma_semaphore, #tpu.memory_space<semaphore_mem>>)
    %dma_start3A_270 = arith.constant 1 : i32
    %dma_start3A_271 = arith.constant 0 : i32
    %dma_start3A_272 = tpu.memref_slice %arg3[%dma_start3A_270, %add3A_262, %dma_start3A_271] : memref<4x8192x1024xf32, #tpu.memory_space<hbm>> -> memref<1x32x1024xf32, #tpu.memory_space<hbm>>
    %dma_start3A_273 = tpu.memref_squeeze %dma_start3A_272 : memref<1x32x1024xf32, #tpu.memory_space<hbm>> -> memref<32x1024xf32, #tpu.memory_space<hbm>>
    %dma_start3A_274 = arith.constant 0 : i32
    %dma_start3A_275 = tpu.memref_slice %arg3[%dma_start3A_270, %add3A_262, %dma_start3A_274] : memref<4x8192x1024xf32, #tpu.memory_space<hbm>> -> memref<1x32x1024xf32, #tpu.memory_space<hbm>>
    %dma_start3A_276 = tpu.memref_squeeze %dma_start3A_275 : memref<1x32x1024xf32, #tpu.memory_space<hbm>> -> memref<32x1024xf32, #tpu.memory_space<hbm>>
    tpu.enqueue_dma source(%arg5 : memref<32x1024xf32, #tpu.memory_space<vmem>>) target(%dma_start3A_276 : memref<32x1024xf32, #tpu.memory_space<hbm>>) target_semaphore(%arg8 : memref<!tpu.dma_semaphore, #tpu.memory_space<semaphore_mem>>)
    %dma_start3A_277 = arith.constant 2 : i32
    %dma_start3A_278 = arith.constant 0 : i32
    %dma_start3A_279 = tpu.memref_slice %arg3[%dma_start3A_277, %add3A_262, %dma_start3A_278] : memref<4x8192x1024xf32, #tpu.memory_space<hbm>> -> memref<1x32x1024xf32, #tpu.memory_space<hbm>>
    %dma_start3A_280 = tpu.memref_squeeze %dma_start3A_279 : memref<1x32x1024xf32, #tpu.memory_space<hbm>> -> memref<32x1024xf32, #tpu.memory_space<hbm>>
    %dma_start3A_281 = arith.constant 0 : i32
    %dma_start3A_282 = tpu.memref_slice %arg3[%dma_start3A_277, %add3A_262, %dma_start3A_281] : memref<4x8192x1024xf32, #tpu.memory_space<hbm>> -> memref<1x32x1024xf32, #tpu.memory_space<hbm>>
    %dma_start3A_283 = tpu.memref_squeeze %dma_start3A_282 : memref<1x32x1024xf32, #tpu.memory_space<hbm>> -> memref<32x1024xf32, #tpu.memory_space<hbm>>
    tpu.enqueue_dma source(%arg5 : memref<32x1024xf32, #tpu.memory_space<vmem>>) target(%dma_start3A_283 : memref<32x1024xf32, #tpu.memory_space<hbm>>) target_semaphore(%arg8 : memref<!tpu.dma_semaphore, #tpu.memory_space<semaphore_mem>>)
    %dma_start3A_284 = arith.constant 3 : i32
    %dma_start3A_285 = arith.constant 0 : i32
    %dma_start3A_286 = tpu.memref_slice %arg3[%dma_start3A_284, %add3A_262, %dma_start3A_285] : memref<4x8192x1024xf32, #tpu.memory_space<hbm>> -> memref<1x32x1024xf32, #tpu.memory_space<hbm>>
    %dma_start3A_287 = tpu.memref_squeeze %dma_start3A_286 : memref<1x32x1024xf32, #tpu.memory_space<hbm>> -> memref<32x1024xf32, #tpu.memory_space<hbm>>
    %dma_start3A_288 = arith.constant 0 : i32
    %dma_start3A_289 = tpu.memref_slice %arg3[%dma_start3A_284, %add3A_262, %dma_start3A_288] : memref<4x8192x1024xf32, #tpu.memory_space<hbm>> -> memref<1x32x1024xf32, #tpu.memory_space<hbm>>
    %dma_start3A_290 = tpu.memref_squeeze %dma_start3A_289 : memref<1x32x1024xf32, #tpu.memory_space<hbm>> -> memref<32x1024xf32, #tpu.memory_space<hbm>>
    tpu.enqueue_dma source(%arg5 : memref<32x1024xf32, #tpu.memory_space<vmem>>) target(%dma_start3A_290 : memref<32x1024xf32, #tpu.memory_space<hbm>>) target_semaphore(%arg8 : memref<!tpu.dma_semaphore, #tpu.memory_space<semaphore_mem>>)
    %dma_wait3A_291 = arith.constant 0 : i32
    %dma_wait3A_292 = arith.constant 0 : i32
    %dma_wait3A_293 = tpu.memref_slice %arg3[%dma_wait3A_291, %add3A_194, %dma_wait3A_292] : memref<4x8192x1024xf32, #tpu.memory_space<hbm>> -> memref<1x32x1024xf32, #tpu.memory_space<hbm>>
    %dma_wait3A_294 = tpu.memref_squeeze %dma_wait3A_293 : memref<1x32x1024xf32, #tpu.memory_space<hbm>> -> memref<32x1024xf32, #tpu.memory_space<hbm>>
    %dma_wait3A_295 = arith.constant 0 : i32
    %dma_wait3A_296 = tpu.memref_slice %arg3[%dma_wait3A_291, %add3A_194, %dma_wait3A_295] : memref<4x8192x1024xf32, #tpu.memory_space<hbm>> -> memref<1x32x1024xf32, #tpu.memory_space<hbm>>
    %dma_wait3A_297 = tpu.memref_squeeze %dma_wait3A_296 : memref<1x32x1024xf32, #tpu.memory_space<hbm>> -> memref<32x1024xf32, #tpu.memory_space<hbm>>
    tpu.wait_dma2 semaphore(%arg8 : memref<!tpu.dma_semaphore, #tpu.memory_space<semaphore_mem>>) src(%arg4 : memref<32x1024xf32, #tpu.memory_space<vmem>>) dst(%dma_wait3A_297 : memref<32x1024xf32, #tpu.memory_space<hbm>>)
    %dma_wait3A_298 = arith.constant 1 : i32
    %dma_wait3A_299 = arith.constant 0 : i32
    %dma_wait3A_300 = tpu.memref_slice %arg3[%dma_wait3A_298, %add3A_194, %dma_wait3A_299] : memref<4x8192x1024xf32, #tpu.memory_space<hbm>> -> memref<1x32x1024xf32, #tpu.memory_space<hbm>>
    %dma_wait3A_301 = tpu.memref_squeeze %dma_wait3A_300 : memref<1x32x1024xf32, #tpu.memory_space<hbm>> -> memref<32x1024xf32, #tpu.memory_space<hbm>>
    %dma_wait3A_302 = arith.constant 0 : i32
    %dma_wait3A_303 = tpu.memref_slice %arg3[%dma_wait3A_298, %add3A_194, %dma_wait3A_302] : memref<4x8192x1024xf32, #tpu.memory_space<hbm>> -> memref<1x32x1024xf32, #tpu.memory_space<hbm>>
    %dma_wait3A_304 = tpu.memref_squeeze %dma_wait3A_303 : memref<1x32x1024xf32, #tpu.memory_space<hbm>> -> memref<32x1024xf32, #tpu.memory_space<hbm>>
    tpu.wait_dma2 semaphore(%arg8 : memref<!tpu.dma_semaphore, #tpu.memory_space<semaphore_mem>>) src(%arg4 : memref<32x1024xf32, #tpu.memory_space<vmem>>) dst(%dma_wait3A_304 : memref<32x1024xf32, #tpu.memory_space<hbm>>)
    %dma_wait3A_305 = arith.constant 2 : i32
    %dma_wait3A_306 = arith.constant 0 : i32
    %dma_wait3A_307 = tpu.memref_slice %arg3[%dma_wait3A_305, %add3A_194, %dma_wait3A_306] : memref<4x8192x1024xf32, #tpu.memory_space<hbm>> -> memref<1x32x1024xf32, #tpu.memory_space<hbm>>
    %dma_wait3A_308 = tpu.memref_squeeze %dma_wait3A_307 : memref<1x32x1024xf32, #tpu.memory_space<hbm>> -> memref<32x1024xf32, #tpu.memory_space<hbm>>
    %dma_wait3A_309 = arith.constant 0 : i32
    %dma_wait3A_310 = tpu.memref_slice %arg3[%dma_wait3A_305, %add3A_194, %dma_wait3A_309] : memref<4x8192x1024xf32, #tpu.memory_space<hbm>> -> memref<1x32x1024xf32, #tpu.memory_space<hbm>>
    %dma_wait3A_311 = tpu.memref_squeeze %dma_wait3A_310 : memref<1x32x1024xf32, #tpu.memory_space<hbm>> -> memref<32x1024xf32, #tpu.memory_space<hbm>>
    tpu.wait_dma2 semaphore(%arg8 : memref<!tpu.dma_semaphore, #tpu.memory_space<semaphore_mem>>) src(%arg4 : memref<32x1024xf32, #tpu.memory_space<vmem>>) dst(%dma_wait3A_311 : memref<32x1024xf32, #tpu.memory_space<hbm>>)
    %dma_wait3A_312 = arith.constant 3 : i32
    %dma_wait3A_313 = arith.constant 0 : i32
    %dma_wait3A_314 = tpu.memref_slice %arg3[%dma_wait3A_312, %add3A_194, %dma_wait3A_313] : memref<4x8192x1024xf32, #tpu.memory_space<hbm>> -> memref<1x32x1024xf32, #tpu.memory_space<hbm>>
    %dma_wait3A_315 = tpu.memref_squeeze %dma_wait3A_314 : memref<1x32x1024xf32, #tpu.memory_space<hbm>> -> memref<32x1024xf32, #tpu.memory_space<hbm>>
    %dma_wait3A_316 = arith.constant 0 : i32
    %dma_wait3A_317 = tpu.memref_slice %arg3[%dma_wait3A_312, %add3A_194, %dma_wait3A_316] : memref<4x8192x1024xf32, #tpu.memory_space<hbm>> -> memref<1x32x1024xf32, #tpu.memory_space<hbm>>
    %dma_wait3A_318 = tpu.memref_squeeze %dma_wait3A_317 : memref<1x32x1024xf32, #tpu.memory_space<hbm>> -> memref<32x1024xf32, #tpu.memory_space<hbm>>
    tpu.wait_dma2 semaphore(%arg8 : memref<!tpu.dma_semaphore, #tpu.memory_space<semaphore_mem>>) src(%arg4 : memref<32x1024xf32, #tpu.memory_space<vmem>>) dst(%dma_wait3A_318 : memref<32x1024xf32, #tpu.memory_space<hbm>>)
    %add3A_319 = arith.constant 192 : i32
    %add3A_320 = arith.addi %mul3A_2, %add3A_319 : i32
    %dma_start3A_321 = arith.constant 0 : i32
    %dma_start3A_322 = tpu.memref_slice %arg2[%add3A_320, %dma_start3A_321] : memref<8192x1024xf32, #tpu.memory_space<hbm>> -> memref<32x1024xf32, #tpu.memory_space<hbm>>
    %dma_start3A_323 = arith.constant 0 : i32
    %dma_start3A_324 = tpu.memref_slice %arg2[%add3A_320, %dma_start3A_323] : memref<8192x1024xf32, #tpu.memory_space<hbm>> -> memref<32x1024xf32, #tpu.memory_space<hbm>>
    tpu.enqueue_dma source(%dma_start3A_324 : memref<32x1024xf32, #tpu.memory_space<hbm>>) target(%arg4 : memref<32x1024xf32, #tpu.memory_space<vmem>>) target_semaphore(%arg7 : memref<!tpu.dma_semaphore, #tpu.memory_space<semaphore_mem>>)
    %dma_wait3A_325 = arith.constant 0 : i32
    %dma_wait3A_326 = tpu.memref_slice %arg2[%add3A_252, %dma_wait3A_325] : memref<8192x1024xf32, #tpu.memory_space<hbm>> -> memref<32x1024xf32, #tpu.memory_space<hbm>>
    %dma_wait3A_327 = arith.constant 0 : i32
    %dma_wait3A_328 = tpu.memref_slice %arg2[%add3A_252, %dma_wait3A_327] : memref<8192x1024xf32, #tpu.memory_space<hbm>> -> memref<32x1024xf32, #tpu.memory_space<hbm>>
    tpu.wait_dma2 semaphore(%arg7 : memref<!tpu.dma_semaphore, #tpu.memory_space<semaphore_mem>>) src(%dma_wait3A_328 : memref<32x1024xf32, #tpu.memory_space<hbm>>) dst(%arg6 : memref<32x1024xf32, #tpu.memory_space<vmem>>)
    %add3A_329 = arith.constant 160 : i32
    %add3A_330 = arith.addi %mul3A_2, %add3A_329 : i32
    %dma_start3A_331 = arith.constant 0 : i32
    %dma_start3A_332 = arith.constant 0 : i32
    %dma_start3A_333 = tpu.memref_slice %arg3[%dma_start3A_331, %add3A_330, %dma_start3A_332] : memref<4x8192x1024xf32, #tpu.memory_space<hbm>> -> memref<1x32x1024xf32, #tpu.memory_space<hbm>>
    %dma_start3A_334 = tpu.memref_squeeze %dma_start3A_333 : memref<1x32x1024xf32, #tpu.memory_space<hbm>> -> memref<32x1024xf32, #tpu.memory_space<hbm>>
    %dma_start3A_335 = arith.constant 0 : i32
    %dma_start3A_336 = tpu.memref_slice %arg3[%dma_start3A_331, %add3A_330, %dma_start3A_335] : memref<4x8192x1024xf32, #tpu.memory_space<hbm>> -> memref<1x32x1024xf32, #tpu.memory_space<hbm>>
    %dma_start3A_337 = tpu.memref_squeeze %dma_start3A_336 : memref<1x32x1024xf32, #tpu.memory_space<hbm>> -> memref<32x1024xf32, #tpu.memory_space<hbm>>
    tpu.enqueue_dma source(%arg6 : memref<32x1024xf32, #tpu.memory_space<vmem>>) target(%dma_start3A_337 : memref<32x1024xf32, #tpu.memory_space<hbm>>) target_semaphore(%arg8 : memref<!tpu.dma_semaphore, #tpu.memory_space<semaphore_mem>>)
    %dma_start3A_338 = arith.constant 1 : i32
    %dma_start3A_339 = arith.constant 0 : i32
    %dma_start3A_340 = tpu.memref_slice %arg3[%dma_start3A_338, %add3A_330, %dma_start3A_339] : memref<4x8192x1024xf32, #tpu.memory_space<hbm>> -> memref<1x32x1024xf32, #tpu.memory_space<hbm>>
    %dma_start3A_341 = tpu.memref_squeeze %dma_start3A_340 : memref<1x32x1024xf32, #tpu.memory_space<hbm>> -> memref<32x1024xf32, #tpu.memory_space<hbm>>
    %dma_start3A_342 = arith.constant 0 : i32
    %dma_start3A_343 = tpu.memref_slice %arg3[%dma_start3A_338, %add3A_330, %dma_start3A_342] : memref<4x8192x1024xf32, #tpu.memory_space<hbm>> -> memref<1x32x1024xf32, #tpu.memory_space<hbm>>
    %dma_start3A_344 = tpu.memref_squeeze %dma_start3A_343 : memref<1x32x1024xf32, #tpu.memory_space<hbm>> -> memref<32x1024xf32, #tpu.memory_space<hbm>>
    tpu.enqueue_dma source(%arg6 : memref<32x1024xf32, #tpu.memory_space<vmem>>) target(%dma_start3A_344 : memref<32x1024xf32, #tpu.memory_space<hbm>>) target_semaphore(%arg8 : memref<!tpu.dma_semaphore, #tpu.memory_space<semaphore_mem>>)
    %dma_start3A_345 = arith.constant 2 : i32
    %dma_start3A_346 = arith.constant 0 : i32
    %dma_start3A_347 = tpu.memref_slice %arg3[%dma_start3A_345, %add3A_330, %dma_start3A_346] : memref<4x8192x1024xf32, #tpu.memory_space<hbm>> -> memref<1x32x1024xf32, #tpu.memory_space<hbm>>
    %dma_start3A_348 = tpu.memref_squeeze %dma_start3A_347 : memref<1x32x1024xf32, #tpu.memory_space<hbm>> -> memref<32x1024xf32, #tpu.memory_space<hbm>>
    %dma_start3A_349 = arith.constant 0 : i32
    %dma_start3A_350 = tpu.memref_slice %arg3[%dma_start3A_345, %add3A_330, %dma_start3A_349] : memref<4x8192x1024xf32, #tpu.memory_space<hbm>> -> memref<1x32x1024xf32, #tpu.memory_space<hbm>>
    %dma_start3A_351 = tpu.memref_squeeze %dma_start3A_350 : memref<1x32x1024xf32, #tpu.memory_space<hbm>> -> memref<32x1024xf32, #tpu.memory_space<hbm>>
    tpu.enqueue_dma source(%arg6 : memref<32x1024xf32, #tpu.memory_space<vmem>>) target(%dma_start3A_351 : memref<32x1024xf32, #tpu.memory_space<hbm>>) target_semaphore(%arg8 : memref<!tpu.dma_semaphore, #tpu.memory_space<semaphore_mem>>)
    %dma_start3A_352 = arith.constant 3 : i32
    %dma_start3A_353 = arith.constant 0 : i32
    %dma_start3A_354 = tpu.memref_slice %arg3[%dma_start3A_352, %add3A_330, %dma_start3A_353] : memref<4x8192x1024xf32, #tpu.memory_space<hbm>> -> memref<1x32x1024xf32, #tpu.memory_space<hbm>>
    %dma_start3A_355 = tpu.memref_squeeze %dma_start3A_354 : memref<1x32x1024xf32, #tpu.memory_space<hbm>> -> memref<32x1024xf32, #tpu.memory_space<hbm>>
    %dma_start3A_356 = arith.constant 0 : i32
    %dma_start3A_357 = tpu.memref_slice %arg3[%dma_start3A_352, %add3A_330, %dma_start3A_356] : memref<4x8192x1024xf32, #tpu.memory_space<hbm>> -> memref<1x32x1024xf32, #tpu.memory_space<hbm>>
    %dma_start3A_358 = tpu.memref_squeeze %dma_start3A_357 : memref<1x32x1024xf32, #tpu.memory_space<hbm>> -> memref<32x1024xf32, #tpu.memory_space<hbm>>
    tpu.enqueue_dma source(%arg6 : memref<32x1024xf32, #tpu.memory_space<vmem>>) target(%dma_start3A_358 : memref<32x1024xf32, #tpu.memory_space<hbm>>) target_semaphore(%arg8 : memref<!tpu.dma_semaphore, #tpu.memory_space<semaphore_mem>>)
    %dma_wait3A_359 = arith.constant 0 : i32
    %dma_wait3A_360 = arith.constant 0 : i32
    %dma_wait3A_361 = tpu.memref_slice %arg3[%dma_wait3A_359, %add3A_262, %dma_wait3A_360] : memref<4x8192x1024xf32, #tpu.memory_space<hbm>> -> memref<1x32x1024xf32, #tpu.memory_space<hbm>>
    %dma_wait3A_362 = tpu.memref_squeeze %dma_wait3A_361 : memref<1x32x1024xf32, #tpu.memory_space<hbm>> -> memref<32x1024xf32, #tpu.memory_space<hbm>>
    %dma_wait3A_363 = arith.constant 0 : i32
    %dma_wait3A_364 = tpu.memref_slice %arg3[%dma_wait3A_359, %add3A_262, %dma_wait3A_363] : memref<4x8192x1024xf32, #tpu.memory_space<hbm>> -> memref<1x32x1024xf32, #tpu.memory_space<hbm>>
    %dma_wait3A_365 = tpu.memref_squeeze %dma_wait3A_364 : memref<1x32x1024xf32, #tpu.memory_space<hbm>> -> memref<32x1024xf32, #tpu.memory_space<hbm>>
    tpu.wait_dma2 semaphore(%arg8 : memref<!tpu.dma_semaphore, #tpu.memory_space<semaphore_mem>>) src(%arg5 : memref<32x1024xf32, #tpu.memory_space<vmem>>) dst(%dma_wait3A_365 : memref<32x1024xf32, #tpu.memory_space<hbm>>)
    %dma_wait3A_366 = arith.constant 1 : i32
    %dma_wait3A_367 = arith.constant 0 : i32
    %dma_wait3A_368 = tpu.memref_slice %arg3[%dma_wait3A_366, %add3A_262, %dma_wait3A_367] : memref<4x8192x1024xf32, #tpu.memory_space<hbm>> -> memref<1x32x1024xf32, #tpu.memory_space<hbm>>
    %dma_wait3A_369 = tpu.memref_squeeze %dma_wait3A_368 : memref<1x32x1024xf32, #tpu.memory_space<hbm>> -> memref<32x1024xf32, #tpu.memory_space<hbm>>
    %dma_wait3A_370 = arith.constant 0 : i32
    %dma_wait3A_371 = tpu.memref_slice %arg3[%dma_wait3A_366, %add3A_262, %dma_wait3A_370] : memref<4x8192x1024xf32, #tpu.memory_space<hbm>> -> memref<1x32x1024xf32, #tpu.memory_space<hbm>>
    %dma_wait3A_372 = tpu.memref_squeeze %dma_wait3A_371 : memref<1x32x1024xf32, #tpu.memory_space<hbm>> -> memref<32x1024xf32, #tpu.memory_space<hbm>>
    tpu.wait_dma2 semaphore(%arg8 : memref<!tpu.dma_semaphore, #tpu.memory_space<semaphore_mem>>) src(%arg5 : memref<32x1024xf32, #tpu.memory_space<vmem>>) dst(%dma_wait3A_372 : memref<32x1024xf32, #tpu.memory_space<hbm>>)
    %dma_wait3A_373 = arith.constant 2 : i32
    %dma_wait3A_374 = arith.constant 0 : i32
    %dma_wait3A_375 = tpu.memref_slice %arg3[%dma_wait3A_373, %add3A_262, %dma_wait3A_374] : memref<4x8192x1024xf32, #tpu.memory_space<hbm>> -> memref<1x32x1024xf32, #tpu.memory_space<hbm>>
    %dma_wait3A_376 = tpu.memref_squeeze %dma_wait3A_375 : memref<1x32x1024xf32, #tpu.memory_space<hbm>> -> memref<32x1024xf32, #tpu.memory_space<hbm>>
    %dma_wait3A_377 = arith.constant 0 : i32
    %dma_wait3A_378 = tpu.memref_slice %arg3[%dma_wait3A_373, %add3A_262, %dma_wait3A_377] : memref<4x8192x1024xf32, #tpu.memory_space<hbm>> -> memref<1x32x1024xf32, #tpu.memory_space<hbm>>
    %dma_wait3A_379 = tpu.memref_squeeze %dma_wait3A_378 : memref<1x32x1024xf32, #tpu.memory_space<hbm>> -> memref<32x1024xf32, #tpu.memory_space<hbm>>
    tpu.wait_dma2 semaphore(%arg8 : memref<!tpu.dma_semaphore, #tpu.memory_space<semaphore_mem>>) src(%arg5 : memref<32x1024xf32, #tpu.memory_space<vmem>>) dst(%dma_wait3A_379 : memref<32x1024xf32, #tpu.memory_space<hbm>>)
    %dma_wait3A_380 = arith.constant 3 : i32
    %dma_wait3A_381 = arith.constant 0 : i32
    %dma_wait3A_382 = tpu.memref_slice %arg3[%dma_wait3A_380, %add3A_262, %dma_wait3A_381] : memref<4x8192x1024xf32, #tpu.memory_space<hbm>> -> memref<1x32x1024xf32, #tpu.memory_space<hbm>>
    %dma_wait3A_383 = tpu.memref_squeeze %dma_wait3A_382 : memref<1x32x1024xf32, #tpu.memory_space<hbm>> -> memref<32x1024xf32, #tpu.memory_space<hbm>>
    %dma_wait3A_384 = arith.constant 0 : i32
    %dma_wait3A_385 = tpu.memref_slice %arg3[%dma_wait3A_380, %add3A_262, %dma_wait3A_384] : memref<4x8192x1024xf32, #tpu.memory_space<hbm>> -> memref<1x32x1024xf32, #tpu.memory_space<hbm>>
    %dma_wait3A_386 = tpu.memref_squeeze %dma_wait3A_385 : memref<1x32x1024xf32, #tpu.memory_space<hbm>> -> memref<32x1024xf32, #tpu.memory_space<hbm>>
    tpu.wait_dma2 semaphore(%arg8 : memref<!tpu.dma_semaphore, #tpu.memory_space<semaphore_mem>>) src(%arg5 : memref<32x1024xf32, #tpu.memory_space<vmem>>) dst(%dma_wait3A_386 : memref<32x1024xf32, #tpu.memory_space<hbm>>)
    %add3A_387 = arith.constant 224 : i32
    %add3A_388 = arith.addi %mul3A_2, %add3A_387 : i32
    %dma_start3A_389 = arith.constant 0 : i32
    %dma_start3A_390 = tpu.memref_slice %arg2[%add3A_388, %dma_start3A_389] : memref<8192x1024xf32, #tpu.memory_space<hbm>> -> memref<32x1024xf32, #tpu.memory_space<hbm>>
    %dma_start3A_391 = arith.constant 0 : i32
    %dma_start3A_392 = tpu.memref_slice %arg2[%add3A_388, %dma_start3A_391] : memref<8192x1024xf32, #tpu.memory_space<hbm>> -> memref<32x1024xf32, #tpu.memory_space<hbm>>
    tpu.enqueue_dma source(%dma_start3A_392 : memref<32x1024xf32, #tpu.memory_space<hbm>>) target(%arg5 : memref<32x1024xf32, #tpu.memory_space<vmem>>) target_semaphore(%arg7 : memref<!tpu.dma_semaphore, #tpu.memory_space<semaphore_mem>>)
    %dma_wait3A_393 = arith.constant 0 : i32
    %dma_wait3A_394 = tpu.memref_slice %arg2[%add3A_320, %dma_wait3A_393] : memref<8192x1024xf32, #tpu.memory_space<hbm>> -> memref<32x1024xf32, #tpu.memory_space<hbm>>
    %dma_wait3A_395 = arith.constant 0 : i32
    %dma_wait3A_396 = tpu.memref_slice %arg2[%add3A_320, %dma_wait3A_395] : memref<8192x1024xf32, #tpu.memory_space<hbm>> -> memref<32x1024xf32, #tpu.memory_space<hbm>>
    tpu.wait_dma2 semaphore(%arg7 : memref<!tpu.dma_semaphore, #tpu.memory_space<semaphore_mem>>) src(%dma_wait3A_396 : memref<32x1024xf32, #tpu.memory_space<hbm>>) dst(%arg4 : memref<32x1024xf32, #tpu.memory_space<vmem>>)
    %add3A_397 = arith.constant 192 : i32
    %add3A_398 = arith.addi %mul3A_2, %add3A_397 : i32
    %dma_start3A_399 = arith.constant 0 : i32
    %dma_start3A_400 = arith.constant 0 : i32
    %dma_start3A_401 = tpu.memref_slice %arg3[%dma_start3A_399, %add3A_398, %dma_start3A_400] : memref<4x8192x1024xf32, #tpu.memory_space<hbm>> -> memref<1x32x1024xf32, #tpu.memory_space<hbm>>
    %dma_start3A_402 = tpu.memref_squeeze %dma_start3A_401 : memref<1x32x1024xf32, #tpu.memory_space<hbm>> -> memref<32x1024xf32, #tpu.memory_space<hbm>>
    %dma_start3A_403 = arith.constant 0 : i32
    %dma_start3A_404 = tpu.memref_slice %arg3[%dma_start3A_399, %add3A_398, %dma_start3A_403] : memref<4x8192x1024xf32, #tpu.memory_space<hbm>> -> memref<1x32x1024xf32, #tpu.memory_space<hbm>>
    %dma_start3A_405 = tpu.memref_squeeze %dma_start3A_404 : memref<1x32x1024xf32, #tpu.memory_space<hbm>> -> memref<32x1024xf32, #tpu.memory_space<hbm>>
    tpu.enqueue_dma source(%arg4 : memref<32x1024xf32, #tpu.memory_space<vmem>>) target(%dma_start3A_405 : memref<32x1024xf32, #tpu.memory_space<hbm>>) target_semaphore(%arg8 : memref<!tpu.dma_semaphore, #tpu.memory_space<semaphore_mem>>)
    %dma_start3A_406 = arith.constant 1 : i32
    %dma_start3A_407 = arith.constant 0 : i32
    %dma_start3A_408 = tpu.memref_slice %arg3[%dma_start3A_406, %add3A_398, %dma_start3A_407] : memref<4x8192x1024xf32, #tpu.memory_space<hbm>> -> memref<1x32x1024xf32, #tpu.memory_space<hbm>>
    %dma_start3A_409 = tpu.memref_squeeze %dma_start3A_408 : memref<1x32x1024xf32, #tpu.memory_space<hbm>> -> memref<32x1024xf32, #tpu.memory_space<hbm>>
    %dma_start3A_410 = arith.constant 0 : i32
    %dma_start3A_411 = tpu.memref_slice %arg3[%dma_start3A_406, %add3A_398, %dma_start3A_410] : memref<4x8192x1024xf32, #tpu.memory_space<hbm>> -> memref<1x32x1024xf32, #tpu.memory_space<hbm>>
    %dma_start3A_412 = tpu.memref_squeeze %dma_start3A_411 : memref<1x32x1024xf32, #tpu.memory_space<hbm>> -> memref<32x1024xf32, #tpu.memory_space<hbm>>
    tpu.enqueue_dma source(%arg4 : memref<32x1024xf32, #tpu.memory_space<vmem>>) target(%dma_start3A_412 : memref<32x1024xf32, #tpu.memory_space<hbm>>) target_semaphore(%arg8 : memref<!tpu.dma_semaphore, #tpu.memory_space<semaphore_mem>>)
    %dma_start3A_413 = arith.constant 2 : i32
    %dma_start3A_414 = arith.constant 0 : i32
    %dma_start3A_415 = tpu.memref_slice %arg3[%dma_start3A_413, %add3A_398, %dma_start3A_414] : memref<4x8192x1024xf32, #tpu.memory_space<hbm>> -> memref<1x32x1024xf32, #tpu.memory_space<hbm>>
    %dma_start3A_416 = tpu.memref_squeeze %dma_start3A_415 : memref<1x32x1024xf32, #tpu.memory_space<hbm>> -> memref<32x1024xf32, #tpu.memory_space<hbm>>
    %dma_start3A_417 = arith.constant 0 : i32
    %dma_start3A_418 = tpu.memref_slice %arg3[%dma_start3A_413, %add3A_398, %dma_start3A_417] : memref<4x8192x1024xf32, #tpu.memory_space<hbm>> -> memref<1x32x1024xf32, #tpu.memory_space<hbm>>
    %dma_start3A_419 = tpu.memref_squeeze %dma_start3A_418 : memref<1x32x1024xf32, #tpu.memory_space<hbm>> -> memref<32x1024xf32, #tpu.memory_space<hbm>>
    tpu.enqueue_dma source(%arg4 : memref<32x1024xf32, #tpu.memory_space<vmem>>) target(%dma_start3A_419 : memref<32x1024xf32, #tpu.memory_space<hbm>>) target_semaphore(%arg8 : memref<!tpu.dma_semaphore, #tpu.memory_space<semaphore_mem>>)
    %dma_start3A_420 = arith.constant 3 : i32
    %dma_start3A_421 = arith.constant 0 : i32
    %dma_start3A_422 = tpu.memref_slice %arg3[%dma_start3A_420, %add3A_398, %dma_start3A_421] : memref<4x8192x1024xf32, #tpu.memory_space<hbm>> -> memref<1x32x1024xf32, #tpu.memory_space<hbm>>
    %dma_start3A_423 = tpu.memref_squeeze %dma_start3A_422 : memref<1x32x1024xf32, #tpu.memory_space<hbm>> -> memref<32x1024xf32, #tpu.memory_space<hbm>>
    %dma_start3A_424 = arith.constant 0 : i32
    %dma_start3A_425 = tpu.memref_slice %arg3[%dma_start3A_420, %add3A_398, %dma_start3A_424] : memref<4x8192x1024xf32, #tpu.memory_space<hbm>> -> memref<1x32x1024xf32, #tpu.memory_space<hbm>>
    %dma_start3A_426 = tpu.memref_squeeze %dma_start3A_425 : memref<1x32x1024xf32, #tpu.memory_space<hbm>> -> memref<32x1024xf32, #tpu.memory_space<hbm>>
    tpu.enqueue_dma source(%arg4 : memref<32x1024xf32, #tpu.memory_space<vmem>>) target(%dma_start3A_426 : memref<32x1024xf32, #tpu.memory_space<hbm>>) target_semaphore(%arg8 : memref<!tpu.dma_semaphore, #tpu.memory_space<semaphore_mem>>)
    %dma_wait3A_427 = arith.constant 0 : i32
    %dma_wait3A_428 = arith.constant 0 : i32
    %dma_wait3A_429 = tpu.memref_slice %arg3[%dma_wait3A_427, %add3A_330, %dma_wait3A_428] : memref<4x8192x1024xf32, #tpu.memory_space<hbm>> -> memref<1x32x1024xf32, #tpu.memory_space<hbm>>
    %dma_wait3A_430 = tpu.memref_squeeze %dma_wait3A_429 : memref<1x32x1024xf32, #tpu.memory_space<hbm>> -> memref<32x1024xf32, #tpu.memory_space<hbm>>
    %dma_wait3A_431 = arith.constant 0 : i32
    %dma_wait3A_432 = tpu.memref_slice %arg3[%dma_wait3A_427, %add3A_330, %dma_wait3A_431] : memref<4x8192x1024xf32, #tpu.memory_space<hbm>> -> memref<1x32x1024xf32, #tpu.memory_space<hbm>>
    %dma_wait3A_433 = tpu.memref_squeeze %dma_wait3A_432 : memref<1x32x1024xf32, #tpu.memory_space<hbm>> -> memref<32x1024xf32, #tpu.memory_space<hbm>>
    tpu.wait_dma2 semaphore(%arg8 : memref<!tpu.dma_semaphore, #tpu.memory_space<semaphore_mem>>) src(%arg6 : memref<32x1024xf32, #tpu.memory_space<vmem>>) dst(%dma_wait3A_433 : memref<32x1024xf32, #tpu.memory_space<hbm>>)
    %dma_wait3A_434 = arith.constant 1 : i32
    %dma_wait3A_435 = arith.constant 0 : i32
    %dma_wait3A_436 = tpu.memref_slice %arg3[%dma_wait3A_434, %add3A_330, %dma_wait3A_435] : memref<4x8192x1024xf32, #tpu.memory_space<hbm>> -> memref<1x32x1024xf32, #tpu.memory_space<hbm>>
    %dma_wait3A_437 = tpu.memref_squeeze %dma_wait3A_436 : memref<1x32x1024xf32, #tpu.memory_space<hbm>> -> memref<32x1024xf32, #tpu.memory_space<hbm>>
    %dma_wait3A_438 = arith.constant 0 : i32
    %dma_wait3A_439 = tpu.memref_slice %arg3[%dma_wait3A_434, %add3A_330, %dma_wait3A_438] : memref<4x8192x1024xf32, #tpu.memory_space<hbm>> -> memref<1x32x1024xf32, #tpu.memory_space<hbm>>
    %dma_wait3A_440 = tpu.memref_squeeze %dma_wait3A_439 : memref<1x32x1024xf32, #tpu.memory_space<hbm>> -> memref<32x1024xf32, #tpu.memory_space<hbm>>
    tpu.wait_dma2 semaphore(%arg8 : memref<!tpu.dma_semaphore, #tpu.memory_space<semaphore_mem>>) src(%arg6 : memref<32x1024xf32, #tpu.memory_space<vmem>>) dst(%dma_wait3A_440 : memref<32x1024xf32, #tpu.memory_space<hbm>>)
    %dma_wait3A_441 = arith.constant 2 : i32
    %dma_wait3A_442 = arith.constant 0 : i32
    %dma_wait3A_443 = tpu.memref_slice %arg3[%dma_wait3A_441, %add3A_330, %dma_wait3A_442] : memref<4x8192x1024xf32, #tpu.memory_space<hbm>> -> memref<1x32x1024xf32, #tpu.memory_space<hbm>>
    %dma_wait3A_444 = tpu.memref_squeeze %dma_wait3A_443 : memref<1x32x1024xf32, #tpu.memory_space<hbm>> -> memref<32x1024xf32, #tpu.memory_space<hbm>>
    %dma_wait3A_445 = arith.constant 0 : i32
    %dma_wait3A_446 = tpu.memref_slice %arg3[%dma_wait3A_441, %add3A_330, %dma_wait3A_445] : memref<4x8192x1024xf32, #tpu.memory_space<hbm>> -> memref<1x32x1024xf32, #tpu.memory_space<hbm>>
    %dma_wait3A_447 = tpu.memref_squeeze %dma_wait3A_446 : memref<1x32x1024xf32, #tpu.memory_space<hbm>> -> memref<32x1024xf32, #tpu.memory_space<hbm>>
    tpu.wait_dma2 semaphore(%arg8 : memref<!tpu.dma_semaphore, #tpu.memory_space<semaphore_mem>>) src(%arg6 : memref<32x1024xf32, #tpu.memory_space<vmem>>) dst(%dma_wait3A_447 : memref<32x1024xf32, #tpu.memory_space<hbm>>)
    %dma_wait3A_448 = arith.constant 3 : i32
    %dma_wait3A_449 = arith.constant 0 : i32
    %dma_wait3A_450 = tpu.memref_slice %arg3[%dma_wait3A_448, %add3A_330, %dma_wait3A_449] : memref<4x8192x1024xf32, #tpu.memory_space<hbm>> -> memref<1x32x1024xf32, #tpu.memory_space<hbm>>
    %dma_wait3A_451 = tpu.memref_squeeze %dma_wait3A_450 : memref<1x32x1024xf32, #tpu.memory_space<hbm>> -> memref<32x1024xf32, #tpu.memory_space<hbm>>
    %dma_wait3A_452 = arith.constant 0 : i32
    %dma_wait3A_453 = tpu.memref_slice %arg3[%dma_wait3A_448, %add3A_330, %dma_wait3A_452] : memref<4x8192x1024xf32, #tpu.memory_space<hbm>> -> memref<1x32x1024xf32, #tpu.memory_space<hbm>>
    %dma_wait3A_454 = tpu.memref_squeeze %dma_wait3A_453 : memref<1x32x1024xf32, #tpu.memory_space<hbm>> -> memref<32x1024xf32, #tpu.memory_space<hbm>>
    tpu.wait_dma2 semaphore(%arg8 : memref<!tpu.dma_semaphore, #tpu.memory_space<semaphore_mem>>) src(%arg6 : memref<32x1024xf32, #tpu.memory_space<vmem>>) dst(%dma_wait3A_454 : memref<32x1024xf32, #tpu.memory_space<hbm>>)
    %dma_wait3A_455 = arith.constant 0 : i32
    %dma_wait3A_456 = tpu.memref_slice %arg2[%add3A_388, %dma_wait3A_455] : memref<8192x1024xf32, #tpu.memory_space<hbm>> -> memref<32x1024xf32, #tpu.memory_space<hbm>>
    %dma_wait3A_457 = arith.constant 0 : i32
    %dma_wait3A_458 = tpu.memref_slice %arg2[%add3A_388, %dma_wait3A_457] : memref<8192x1024xf32, #tpu.memory_space<hbm>> -> memref<32x1024xf32, #tpu.memory_space<hbm>>
    tpu.wait_dma2 semaphore(%arg7 : memref<!tpu.dma_semaphore, #tpu.memory_space<semaphore_mem>>) src(%dma_wait3A_458 : memref<32x1024xf32, #tpu.memory_space<hbm>>) dst(%arg5 : memref<32x1024xf32, #tpu.memory_space<vmem>>)
    %add3A_459 = arith.constant 224 : i32
    %add3A_460 = arith.addi %mul3A_2, %add3A_459 : i32
    %dma_start3A_461 = arith.constant 0 : i32
    %dma_start3A_462 = arith.constant 0 : i32
    %dma_start3A_463 = tpu.memref_slice %arg3[%dma_start3A_461, %add3A_460, %dma_start3A_462] : memref<4x8192x1024xf32, #tpu.memory_space<hbm>> -> memref<1x32x1024xf32, #tpu.memory_space<hbm>>
    %dma_start3A_464 = tpu.memref_squeeze %dma_start3A_463 : memref<1x32x1024xf32, #tpu.memory_space<hbm>> -> memref<32x1024xf32, #tpu.memory_space<hbm>>
    %dma_start3A_465 = arith.constant 0 : i32
    %dma_start3A_466 = tpu.memref_slice %arg3[%dma_start3A_461, %add3A_460, %dma_start3A_465] : memref<4x8192x1024xf32, #tpu.memory_space<hbm>> -> memref<1x32x1024xf32, #tpu.memory_space<hbm>>
    %dma_start3A_467 = tpu.memref_squeeze %dma_start3A_466 : memref<1x32x1024xf32, #tpu.memory_space<hbm>> -> memref<32x1024xf32, #tpu.memory_space<hbm>>
    tpu.enqueue_dma source(%arg5 : memref<32x1024xf32, #tpu.memory_space<vmem>>) target(%dma_start3A_467 : memref<32x1024xf32, #tpu.memory_space<hbm>>) target_semaphore(%arg8 : memref<!tpu.dma_semaphore, #tpu.memory_space<semaphore_mem>>)
    %dma_start3A_468 = arith.constant 1 : i32
    %dma_start3A_469 = arith.constant 0 : i32
    %dma_start3A_470 = tpu.memref_slice %arg3[%dma_start3A_468, %add3A_460, %dma_start3A_469] : memref<4x8192x1024xf32, #tpu.memory_space<hbm>> -> memref<1x32x1024xf32, #tpu.memory_space<hbm>>
    %dma_start3A_471 = tpu.memref_squeeze %dma_start3A_470 : memref<1x32x1024xf32, #tpu.memory_space<hbm>> -> memref<32x1024xf32, #tpu.memory_space<hbm>>
    %dma_start3A_472 = arith.constant 0 : i32
    %dma_start3A_473 = tpu.memref_slice %arg3[%dma_start3A_468, %add3A_460, %dma_start3A_472] : memref<4x8192x1024xf32, #tpu.memory_space<hbm>> -> memref<1x32x1024xf32, #tpu.memory_space<hbm>>
    %dma_start3A_474 = tpu.memref_squeeze %dma_start3A_473 : memref<1x32x1024xf32, #tpu.memory_space<hbm>> -> memref<32x1024xf32, #tpu.memory_space<hbm>>
    tpu.enqueue_dma source(%arg5 : memref<32x1024xf32, #tpu.memory_space<vmem>>) target(%dma_start3A_474 : memref<32x1024xf32, #tpu.memory_space<hbm>>) target_semaphore(%arg8 : memref<!tpu.dma_semaphore, #tpu.memory_space<semaphore_mem>>)
    %dma_start3A_475 = arith.constant 2 : i32
    %dma_start3A_476 = arith.constant 0 : i32
    %dma_start3A_477 = tpu.memref_slice %arg3[%dma_start3A_475, %add3A_460, %dma_start3A_476] : memref<4x8192x1024xf32, #tpu.memory_space<hbm>> -> memref<1x32x1024xf32, #tpu.memory_space<hbm>>
    %dma_start3A_478 = tpu.memref_squeeze %dma_start3A_477 : memref<1x32x1024xf32, #tpu.memory_space<hbm>> -> memref<32x1024xf32, #tpu.memory_space<hbm>>
    %dma_start3A_479 = arith.constant 0 : i32
    %dma_start3A_480 = tpu.memref_slice %arg3[%dma_start3A_475, %add3A_460, %dma_start3A_479] : memref<4x8192x1024xf32, #tpu.memory_space<hbm>> -> memref<1x32x1024xf32, #tpu.memory_space<hbm>>
    %dma_start3A_481 = tpu.memref_squeeze %dma_start3A_480 : memref<1x32x1024xf32, #tpu.memory_space<hbm>> -> memref<32x1024xf32, #tpu.memory_space<hbm>>
    tpu.enqueue_dma source(%arg5 : memref<32x1024xf32, #tpu.memory_space<vmem>>) target(%dma_start3A_481 : memref<32x1024xf32, #tpu.memory_space<hbm>>) target_semaphore(%arg8 : memref<!tpu.dma_semaphore, #tpu.memory_space<semaphore_mem>>)
    %dma_start3A_482 = arith.constant 3 : i32
    %dma_start3A_483 = arith.constant 0 : i32
    %dma_start3A_484 = tpu.memref_slice %arg3[%dma_start3A_482, %add3A_460, %dma_start3A_483] : memref<4x8192x1024xf32, #tpu.memory_space<hbm>> -> memref<1x32x1024xf32, #tpu.memory_space<hbm>>
    %dma_start3A_485 = tpu.memref_squeeze %dma_start3A_484 : memref<1x32x1024xf32, #tpu.memory_space<hbm>> -> memref<32x1024xf32, #tpu.memory_space<hbm>>
    %dma_start3A_486 = arith.constant 0 : i32
    %dma_start3A_487 = tpu.memref_slice %arg3[%dma_start3A_482, %add3A_460, %dma_start3A_486] : memref<4x8192x1024xf32, #tpu.memory_space<hbm>> -> memref<1x32x1024xf32, #tpu.memory_space<hbm>>
    %dma_start3A_488 = tpu.memref_squeeze %dma_start3A_487 : memref<1x32x1024xf32, #tpu.memory_space<hbm>> -> memref<32x1024xf32, #tpu.memory_space<hbm>>
    tpu.enqueue_dma source(%arg5 : memref<32x1024xf32, #tpu.memory_space<vmem>>) target(%dma_start3A_488 : memref<32x1024xf32, #tpu.memory_space<hbm>>) target_semaphore(%arg8 : memref<!tpu.dma_semaphore, #tpu.memory_space<semaphore_mem>>)
    %dma_wait3A_489 = arith.constant 0 : i32
    %dma_wait3A_490 = arith.constant 0 : i32
    %dma_wait3A_491 = tpu.memref_slice %arg3[%dma_wait3A_489, %add3A_398, %dma_wait3A_490] : memref<4x8192x1024xf32, #tpu.memory_space<hbm>> -> memref<1x32x1024xf32, #tpu.memory_space<hbm>>
    %dma_wait3A_492 = tpu.memref_squeeze %dma_wait3A_491 : memref<1x32x1024xf32, #tpu.memory_space<hbm>> -> memref<32x1024xf32, #tpu.memory_space<hbm>>
    %dma_wait3A_493 = arith.constant 0 : i32
    %dma_wait3A_494 = tpu.memref_slice %arg3[%dma_wait3A_489, %add3A_398, %dma_wait3A_493] : memref<4x8192x1024xf32, #tpu.memory_space<hbm>> -> memref<1x32x1024xf32, #tpu.memory_space<hbm>>
    %dma_wait3A_495 = tpu.memref_squeeze %dma_wait3A_494 : memref<1x32x1024xf32, #tpu.memory_space<hbm>> -> memref<32x1024xf32, #tpu.memory_space<hbm>>
    tpu.wait_dma2 semaphore(%arg8 : memref<!tpu.dma_semaphore, #tpu.memory_space<semaphore_mem>>) src(%arg4 : memref<32x1024xf32, #tpu.memory_space<vmem>>) dst(%dma_wait3A_495 : memref<32x1024xf32, #tpu.memory_space<hbm>>)
    %dma_wait3A_496 = arith.constant 1 : i32
    %dma_wait3A_497 = arith.constant 0 : i32
    %dma_wait3A_498 = tpu.memref_slice %arg3[%dma_wait3A_496, %add3A_398, %dma_wait3A_497] : memref<4x8192x1024xf32, #tpu.memory_space<hbm>> -> memref<1x32x1024xf32, #tpu.memory_space<hbm>>
    %dma_wait3A_499 = tpu.memref_squeeze %dma_wait3A_498 : memref<1x32x1024xf32, #tpu.memory_space<hbm>> -> memref<32x1024xf32, #tpu.memory_space<hbm>>
    %dma_wait3A_500 = arith.constant 0 : i32
    %dma_wait3A_501 = tpu.memref_slice %arg3[%dma_wait3A_496, %add3A_398, %dma_wait3A_500] : memref<4x8192x1024xf32, #tpu.memory_space<hbm>> -> memref<1x32x1024xf32, #tpu.memory_space<hbm>>
    %dma_wait3A_502 = tpu.memref_squeeze %dma_wait3A_501 : memref<1x32x1024xf32, #tpu.memory_space<hbm>> -> memref<32x1024xf32, #tpu.memory_space<hbm>>
    tpu.wait_dma2 semaphore(%arg8 : memref<!tpu.dma_semaphore, #tpu.memory_space<semaphore_mem>>) src(%arg4 : memref<32x1024xf32, #tpu.memory_space<vmem>>) dst(%dma_wait3A_502 : memref<32x1024xf32, #tpu.memory_space<hbm>>)
    %dma_wait3A_503 = arith.constant 2 : i32
    %dma_wait3A_504 = arith.constant 0 : i32
    %dma_wait3A_505 = tpu.memref_slice %arg3[%dma_wait3A_503, %add3A_398, %dma_wait3A_504] : memref<4x8192x1024xf32, #tpu.memory_space<hbm>> -> memref<1x32x1024xf32, #tpu.memory_space<hbm>>
    %dma_wait3A_506 = tpu.memref_squeeze %dma_wait3A_505 : memref<1x32x1024xf32, #tpu.memory_space<hbm>> -> memref<32x1024xf32, #tpu.memory_space<hbm>>
    %dma_wait3A_507 = arith.constant 0 : i32
    %dma_wait3A_508 = tpu.memref_slice %arg3[%dma_wait3A_503, %add3A_398, %dma_wait3A_507] : memref<4x8192x1024xf32, #tpu.memory_space<hbm>> -> memref<1x32x1024xf32, #tpu.memory_space<hbm>>
    %dma_wait3A_509 = tpu.memref_squeeze %dma_wait3A_508 : memref<1x32x1024xf32, #tpu.memory_space<hbm>> -> memref<32x1024xf32, #tpu.memory_space<hbm>>
    tpu.wait_dma2 semaphore(%arg8 : memref<!tpu.dma_semaphore, #tpu.memory_space<semaphore_mem>>) src(%arg4 : memref<32x1024xf32, #tpu.memory_space<vmem>>) dst(%dma_wait3A_509 : memref<32x1024xf32, #tpu.memory_space<hbm>>)
    %dma_wait3A_510 = arith.constant 3 : i32
    %dma_wait3A_511 = arith.constant 0 : i32
    %dma_wait3A_512 = tpu.memref_slice %arg3[%dma_wait3A_510, %add3A_398, %dma_wait3A_511] : memref<4x8192x1024xf32, #tpu.memory_space<hbm>> -> memref<1x32x1024xf32, #tpu.memory_space<hbm>>
    %dma_wait3A_513 = tpu.memref_squeeze %dma_wait3A_512 : memref<1x32x1024xf32, #tpu.memory_space<hbm>> -> memref<32x1024xf32, #tpu.memory_space<hbm>>
    %dma_wait3A_514 = arith.constant 0 : i32
    %dma_wait3A_515 = tpu.memref_slice %arg3[%dma_wait3A_510, %add3A_398, %dma_wait3A_514] : memref<4x8192x1024xf32, #tpu.memory_space<hbm>> -> memref<1x32x1024xf32, #tpu.memory_space<hbm>>
    %dma_wait3A_516 = tpu.memref_squeeze %dma_wait3A_515 : memref<1x32x1024xf32, #tpu.memory_space<hbm>> -> memref<32x1024xf32, #tpu.memory_space<hbm>>
    tpu.wait_dma2 semaphore(%arg8 : memref<!tpu.dma_semaphore, #tpu.memory_space<semaphore_mem>>) src(%arg4 : memref<32x1024xf32, #tpu.memory_space<vmem>>) dst(%dma_wait3A_516 : memref<32x1024xf32, #tpu.memory_space<hbm>>)
    %dma_wait3A_517 = arith.constant 0 : i32
    %dma_wait3A_518 = arith.constant 0 : i32
    %dma_wait3A_519 = tpu.memref_slice %arg3[%dma_wait3A_517, %add3A_460, %dma_wait3A_518] : memref<4x8192x1024xf32, #tpu.memory_space<hbm>> -> memref<1x32x1024xf32, #tpu.memory_space<hbm>>
    %dma_wait3A_520 = tpu.memref_squeeze %dma_wait3A_519 : memref<1x32x1024xf32, #tpu.memory_space<hbm>> -> memref<32x1024xf32, #tpu.memory_space<hbm>>
    %dma_wait3A_521 = arith.constant 0 : i32
    %dma_wait3A_522 = tpu.memref_slice %arg3[%dma_wait3A_517, %add3A_460, %dma_wait3A_521] : memref<4x8192x1024xf32, #tpu.memory_space<hbm>> -> memref<1x32x1024xf32, #tpu.memory_space<hbm>>
    %dma_wait3A_523 = tpu.memref_squeeze %dma_wait3A_522 : memref<1x32x1024xf32, #tpu.memory_space<hbm>> -> memref<32x1024xf32, #tpu.memory_space<hbm>>
    tpu.wait_dma2 semaphore(%arg8 : memref<!tpu.dma_semaphore, #tpu.memory_space<semaphore_mem>>) src(%arg5 : memref<32x1024xf32, #tpu.memory_space<vmem>>) dst(%dma_wait3A_523 : memref<32x1024xf32, #tpu.memory_space<hbm>>)
    %dma_wait3A_524 = arith.constant 1 : i32
    %dma_wait3A_525 = arith.constant 0 : i32
    %dma_wait3A_526 = tpu.memref_slice %arg3[%dma_wait3A_524, %add3A_460, %dma_wait3A_525] : memref<4x8192x1024xf32, #tpu.memory_space<hbm>> -> memref<1x32x1024xf32, #tpu.memory_space<hbm>>
    %dma_wait3A_527 = tpu.memref_squeeze %dma_wait3A_526 : memref<1x32x1024xf32, #tpu.memory_space<hbm>> -> memref<32x1024xf32, #tpu.memory_space<hbm>>
    %dma_wait3A_528 = arith.constant 0 : i32
    %dma_wait3A_529 = tpu.memref_slice %arg3[%dma_wait3A_524, %add3A_460, %dma_wait3A_528] : memref<4x8192x1024xf32, #tpu.memory_space<hbm>> -> memref<1x32x1024xf32, #tpu.memory_space<hbm>>
    %dma_wait3A_530 = tpu.memref_squeeze %dma_wait3A_529 : memref<1x32x1024xf32, #tpu.memory_space<hbm>> -> memref<32x1024xf32, #tpu.memory_space<hbm>>
    tpu.wait_dma2 semaphore(%arg8 : memref<!tpu.dma_semaphore, #tpu.memory_space<semaphore_mem>>) src(%arg5 : memref<32x1024xf32, #tpu.memory_space<vmem>>) dst(%dma_wait3A_530 : memref<32x1024xf32, #tpu.memory_space<hbm>>)
    %dma_wait3A_531 = arith.constant 2 : i32
    %dma_wait3A_532 = arith.constant 0 : i32
    %dma_wait3A_533 = tpu.memref_slice %arg3[%dma_wait3A_531, %add3A_460, %dma_wait3A_532] : memref<4x8192x1024xf32, #tpu.memory_space<hbm>> -> memref<1x32x1024xf32, #tpu.memory_space<hbm>>
    %dma_wait3A_534 = tpu.memref_squeeze %dma_wait3A_533 : memref<1x32x1024xf32, #tpu.memory_space<hbm>> -> memref<32x1024xf32, #tpu.memory_space<hbm>>
    %dma_wait3A_535 = arith.constant 0 : i32
    %dma_wait3A_536 = tpu.memref_slice %arg3[%dma_wait3A_531, %add3A_460, %dma_wait3A_535] : memref<4x8192x1024xf32, #tpu.memory_space<hbm>> -> memref<1x32x1024xf32, #tpu.memory_space<hbm>>
    %dma_wait3A_537 = tpu.memref_squeeze %dma_wait3A_536 : memref<1x32x1024xf32, #tpu.memory_space<hbm>> -> memref<32x1024xf32, #tpu.memory_space<hbm>>
    tpu.wait_dma2 semaphore(%arg8 : memref<!tpu.dma_semaphore, #tpu.memory_space<semaphore_mem>>) src(%arg5 : memref<32x1024xf32, #tpu.memory_space<vmem>>) dst(%dma_wait3A_537 : memref<32x1024xf32, #tpu.memory_space<hbm>>)
    %dma_wait3A_538 = arith.constant 3 : i32
    %dma_wait3A_539 = arith.constant 0 : i32
    %dma_wait3A_540 = tpu.memref_slice %arg3[%dma_wait3A_538, %add3A_460, %dma_wait3A_539] : memref<4x8192x1024xf32, #tpu.memory_space<hbm>> -> memref<1x32x1024xf32, #tpu.memory_space<hbm>>
    %dma_wait3A_541 = tpu.memref_squeeze %dma_wait3A_540 : memref<1x32x1024xf32, #tpu.memory_space<hbm>> -> memref<32x1024xf32, #tpu.memory_space<hbm>>
    %dma_wait3A_542 = arith.constant 0 : i32
    %dma_wait3A_543 = tpu.memref_slice %arg3[%dma_wait3A_538, %add3A_460, %dma_wait3A_542] : memref<4x8192x1024xf32, #tpu.memory_space<hbm>> -> memref<1x32x1024xf32, #tpu.memory_space<hbm>>
    %dma_wait3A_544 = tpu.memref_squeeze %dma_wait3A_543 : memref<1x32x1024xf32, #tpu.memory_space<hbm>> -> memref<32x1024xf32, #tpu.memory_space<hbm>>
    tpu.wait_dma2 semaphore(%arg8 : memref<!tpu.dma_semaphore, #tpu.memory_space<semaphore_mem>>) src(%arg5 : memref<32x1024xf32, #tpu.memory_space<vmem>>) dst(%dma_wait3A_544 : memref<32x1024xf32, #tpu.memory_space<hbm>>)
    return
  }
}

</mosaic_0001>

<sc_bundles>
// kernel: kernel.3.cloned.1.call-start
scs
__scs_entry_jumppad:
0x0: {  	(pc) =	sbr.rel $0x88, $3  }
0x1: {  	(tag) =	ssettag $0x0;
	lr =	simm.s32 $0x1  }
0x2: {  	[smem:$0x3FA0] =	sst lr;
	_ =	strace $0xD0000000  }
0x3: {  	_ = 	snop  }
0x4: {  	_ = 	snop  }
0x5: {  	_ = 	snop  }
0x6: {  	_ = 	snop  }
0x7: {  	_ = 	snop  }
__scs_overlays_trampoline_lowered:
0x8: {  	[smem:$0x3FAF] =	sst s0  }
0x9: {  	[smem:$0x3FB0] =	sst s1  }
0xa: {  	[smem:$0x3FB1] =	sst s2  }
0xb: {  	[smem:$0x3FB2] =	sst s3  }
0xc: {  	[smem:$0x3FB3] =	sst s4  }
0xd: {  	[smem:$0x3FB4] =	sst s5  }
0xe: {  	[smem:$0x3FB5] =	sst s6  }
0xf: {  	[smem:$0x3FB6] =	sst s7  }
0x10: {  	[smem:$0x3FB7] =	sst s8  }
0x11: {  	[smem:$0x3FB8] =	sst s9;
	s0 =	simm.s32 @!p0 $0x0  }
0x12: {  	s1 =	sld [smem:$0x3F9E];
	s0 =	simm.s32 @p0 $0x1  }
0x13: {  	[smem:$0x3FB9] =	sst s0;
	s0 =	simm.s32 @!p1 $0x0  }
0x14: {  	s2 =	sld [smem:$0x3F9D];
	s0 =	simm.s32 @p1 $0x1  }
0x15: {  	[smem:$0x3FBA] =	sst s0;
	s0 =	simm.s32 @!p2 $0x0  }
0x16: {  	s3 =	sld [smem:$0x3FDB];
	s0 =	simm.s32 @p2 $0x1  }
0x17: {  	s4 =	simm.s32 $0x1BF5;
	[smem:$0x3FBC] =	sst s0  }
0x18: {  	s0 =	sld [smem:$0x3F9F];
	_ =	swait.ge [sflag:s4], $0x0  }
0x19: {  	s7 =	sld [smem:$0x3FA0]  }
0x1a: {  	s8 =	sadd.s32 $0xFFFFE003, lr  }
0x1b: {  	s9 =	sadd.s32 $0xFFFFFEF7, lr;
	s5 =	simm.s32 $0xFFFFFFFF;
	p2 =	slt.u32 s8, $0xFFFFF086  }
0x1c: {  	p1 =	slt.u32 s9, $0xF7A;
	s5 =	simm.s32 @!p2 $0x0  }
0x1d: {  	s5 =	simm.s32 @p1 $0x1;
	p0 =	seq.s32 s7, s2  }
0x1e: {  	s7 =	smul.u32 @!p0 $0xF7A, s2;
	p2 =	seq.s32 @!p0 s5, $0x0  }
0x1f: {  	s9 =	smul.u32 $0xF7A, s1;
	s8 =	simm.s32 @!p0 $0x1BF5;
	p2 =	por !p2, p0  }
0x20: {  	[sflag:s8] =	ssyncset.s32 @!p0 $0xFFFFF086;
	s6 =	sadd.s32 @!p0 s3, s7;
	s7 =	simm.s32 @!p0 $0x108  }
0x21: {  	s3 =	sadd.s32 s3, s9;
	s6 =	sadd.s32 @!p0 $0x88, s6;
	s7 =	simm.s32 @p2 $0x1082  }
0x22: {  	[simem:s7], [sflag:s8] =	dma.local @!p0 [hbm:s6], $0xF7A  }
0x23: {  	s9 =	sor.u32 $0xD0000000, s2;
	s6 =	simm.s32 $0x108;
	_ =	swait.ge @!p0 [sflag:s8], $0x0  }
0x24: {  	s3 =	sadd.s32 $0x88, s3;
	s6 =	simm.s32 @!p1 $0x1082;
	[sflag:s4] =	ssyncset.s32 $0xFFFFF086  }
0x25: {  	[simem:s6], [sflag:s4] =	dma.local [hbm:s3], $0xF7A  }
0x26: {  	[smem:$0x3FA0] =	sst s1;
	(tag) =	ssettag s2;
	_ =	strace s9  }
0x27: {  	s1 =	sld [smem:$0x3FB0]  }
0x28: {  	s2 =	sld [smem:$0x3FB1]  }
0x29: {  	s4 =	sld [smem:$0x3FB3]  }
0x2a: {  	p0 =	seq.s32 s5, $0x0;
	s5 =	sld [smem:$0x3FB4]  }
0x2b: {  	s6 =	sld [smem:$0x3FB5]  }
0x2c: {  	s7 =	sld [smem:$0x3FB6]  }
0x2d: {  	s3 =	simm.s32 $0x108;
	s8 =	sld [smem:$0x3FB7]  }
0x2e: {  	s3 =	simm.s32 @!p0 $0x1082;
	s9 =	sld [smem:$0x3FB8]  }
0x2f: {  	lr =	sadd.s32 s0, s3;
	s0 =	sld [smem:$0x3FAF]  }
0x30: {  	s3 =	sld [smem:$0x3FB2]  }
0x31: {  	[smem:$0x3FBB] =	sst s10  }
0x32: {  	s10 =	sld [smem:$0x3FB9];
	_ =	sdelay $0x3  }
0x33: {  	p0 =	seq.s32 s10, $0x1;
	s10 =	sld [smem:$0x3FBB];
	_ =	sdelay $0x3  }
0x34: {  	[smem:$0x3FBB] =	sst s10  }
0x35: {  	s10 =	sld [smem:$0x3FBA];
	_ =	sdelay $0x3  }
0x36: {  	p1 =	seq.s32 s10, $0x1;
	s10 =	sld [smem:$0x3FBB];
	_ =	sdelay $0x3  }
0x37: {  	[smem:$0x3FBB] =	sst s10  }
0x38: {  	s10 =	sld [smem:$0x3FBC]  }
0x39: {  	_ = 	snop;
	(pc) =	sbr.ind lr, $3  }
0x3a: {  	_ = 	snop  }
0x3b: {  	_ = 	snop  }
0x3c: {  	p2 =	seq.s32 s10, $0x1;
	s10 =	sld [smem:$0x3FBB]  }
0x3d: {  	_ =	shalt  }
0x3e: {  	_ =	shalt  }
0x3f: {  	_ =	shalt  }
0x40: {  	_ =	shalt  }
0x41: {  	_ =	shalt  }
0x42: {  	_ =	shalt  }
0x43: {  	_ =	shalt  }
0x44: {  	_ =	shalt  }
0x45: {  	_ =	shalt  }
0x46: {  	_ =	shalt  }
0x47: {  	_ =	shalt  }
0x48: {  	_ =	shalt  }
0x49: {  	_ =	shalt  }
0x4a: {  	_ =	shalt  }
0x4b: {  	_ =	shalt  }
0x4c: {  	_ =	shalt  }
0x4d: {  	_ =	shalt  }
0x4e: {  	_ =	shalt  }
0x4f: {  	_ =	shalt  }
0x50: {  	_ =	shalt  }
0x51: {  	_ =	shalt  }
0x52: {  	_ =	shalt  }
0x53: {  	_ =	shalt  }
0x54: {  	_ =	shalt  }
0x55: {  	_ =	shalt  }
0x56: {  	_ =	shalt  }
0x57: {  	_ =	shalt  }
0x58: {  	_ =	shalt  }
0x59: {  	_ =	shalt  }
0x5a: {  	_ =	shalt  }
0x5b: {  	_ =	shalt  }
0x5c: {  	_ =	shalt  }
0x5d: {  	_ =	shalt  }
0x5e: {  	_ =	shalt  }
0x5f: {  	_ =	shalt  }
0x60: {  	_ =	shalt  }
0x61: {  	_ =	shalt  }
0x62: {  	_ =	shalt  }
0x63: {  	_ =	shalt  }
0x64: {  	_ =	shalt  }
0x65: {  	_ =	shalt  }
0x66: {  	_ =	shalt  }
0x67: {  	_ =	shalt  }
0x68: {  	_ =	shalt  }
0x69: {  	_ =	shalt  }
0x6a: {  	_ =	shalt  }
0x6b: {  	_ =	shalt  }
0x6c: {  	_ =	shalt  }
0x6d: {  	_ =	shalt  }
0x6e: {  	_ =	shalt  }
0x6f: {  	_ =	shalt  }
0x70: {  	_ =	shalt  }
0x71: {  	_ =	shalt  }
0x72: {  	_ =	shalt  }
0x73: {  	_ =	shalt  }
0x74: {  	_ =	shalt  }
0x75: {  	_ =	shalt  }
0x76: {  	_ =	shalt  }
0x77: {  	_ =	shalt  }
0x78: {  	_ =	shalt  }
0x79: {  	_ =	shalt  }
0x7a: {  	_ =	shalt  }
0x7b: {  	_ =	shalt  }
0x7c: {  	_ =	shalt  }
0x7d: {  	_ =	shalt  }
0x7e: {  	_ =	shalt  }
0x7f: {  	_ =	shalt  }
0x80: {  	_ =	shalt  }
0x81: {  	_ =	shalt  }
0x82: {  	_ =	shalt  }
0x83: {  	_ =	shalt  }
0x84: {  	_ =	shalt  }
0x85: {  	_ =	shalt  }
0x86: {  	_ =	shalt  }
0x87: {  	_ =	shalt  }
.Lfunc_end0:
.L_simem_size_0:
called_computation_lowered:
.L_overlay_start_0:
0x88: {  	s2 =	sld [smem:$0x3FD9]  }
0x89: {  	s3 =	sld [smem:$0x3FFE];
	_ =	sdelay $0x1  }
0x8a: {  	s1 =	srdreg.scid  }
0x8b: {  	s0 =	sand.u32 $0x1, s1  }
0x8c: {  	s18 =	sshll.u32 s0, $0xA;
	s2 =	sadd.s32 s3, s2  }
0x8d: {  	s2 =	sadd.s32 s2, s18  }
0x8e: {  	[smem:$0x3FC7] =	sst s2  }
0x8f: {  	_ = 	snop  }
0x90: {  	s2 =	sld [smem:$0x3FC9]  }
0x91: {  	s19 =	sld [smem:$0x3FD0];
	(tm) =	ssettm $0x1  }
0x92: {  	s4 =	sld [smem:$0x3FFB];
	_ =	sdelay $0x3  }
0x93: {  	_ =	strace s4  }
0x94: {  	s4 =	sld [smem:$0x3FFC];
	_ =	sdelay $0x3  }
0x95: {  	_ =	strace s4  }
0x96: {  	s4 =	sld [smem:$0x3FFD];
	_ =	sdelay $0x3  }
0x97: {  	_ =	strace s4  }
0x98: {  	_ =	strace $0x8FFFFFFF  }
0x99: {  	s20 =	sld [smem:$0x3FDB];
	_ =	sdelay $0x1  }
0x9a: {  	s5 =	simm.s32 $_scs_section_size  }
0x9b: {  	s6 =	simm.s32 $_size__tile_overlayer_lowered;
	s7 =	simm.s32 $_tile_overlayer_lowered  }
0x9c: {  	s23 =	simm.s32 $0x1BFF;
	s22 =	sshll.u32 s7, $0x1;
	s4 =	sadd.s32 s5, s20  }
0x9d: {  	s8 =	simm.s32 $0x0;
	s21 =	sshll.u32 s6, $0x1;
	s6 =	sadd.s32 s22, s4  }
0x9e: {  	[timem:s8], [sflag:s23] =	dma.local [hbm:s6], s21  }
0x9f: {  	_ =	swait.ge [sflag:s23], s21  }
0xa0: {  	s5 =	ssub.s32 $0x0, s21;
	[sflag:s23] =	ssyncset.done $0x0  }
0xa1: {  	[sflag:s23] =	ssyncadd.s32 s5;
	_ =	sdelay $0x1  }
0xa2: {  	s24 =	simm.s32 $0x1B8B  }
0xa3: {  	_ =	swait.ge [sflag:s24], $0x1  }
0xa4: {  	[sflag:s24] =	ssyncset.done $0x0  }
0xa5: {  	s25 =	simm.s32 $0x1B8E;
	[sflag:s24] =	ssyncadd.s32 $0xFFFFFFFF  }
0xa6: {  	s26 =	simm.s32 $execute0_lowered;
	[smem:$0x3FD2] =	sst s25  }
0xa7: {  	s5 =	sshll.u32 s26, $0x1;
	_ =	strace $0x80000046;
	[dreg:$0x1] =	wrdreg $0xFFFFFFFF  }
0xa8: {  	s28 =	simm.s32 $_size_execute0_lowered;
	s4 =	sadd.s32 s4, s5;
	[dreg:$0x0] =	wrdreg $0x0  }
0xa9: {  	s5 =	sshll.u32 s28, $0x1;
	[dreg:$0x2] =	wrdreg s4  }
0xaa: {  	[dreg:$0x3] =	wrdreg s5  }
0xab: {  	[dreg:$0x4] =	wrdreg $0xC0  }
0xac: {  	_ =	task [dreg:s8], $0x5FFFF  }
0xad: {  	[dreg:$0x1] =	wrdreg $0xFFFFFFFF  }
0xae: {  	[dreg:$0x0] =	wrdreg $0x60  }
0xaf: {  	[dreg:$0x2] =	wrdreg s2  }
0xb0: {  	[dreg:$0x3] =	wrdreg s19  }
0xb1: {  	[dreg:$0x4] =	wrdreg $0x9  }
0xb2: {  	_ =	task.clear_ibuf [dreg:s8], $0x5FFFF;
	_ =	strace $0x90000046  }
0xb3: {  	s29 =	simm.s32 $0x9;
	_ =	strace $0x80000048  }
0xb4: {  	_ =	swait.ge [sflag:s29], $0x1  }
0xb5: {  	[sflag:s29] =	ssyncadd.s32 $0xFFFFFFFF  }
0xb6: {  	_ =	strace $0x90000048  }
0xb7: {  	_ =	sfence  }
0xb8: {  	s30 =	sld [smem:$0x0];
	_ =	sdelay $0x2  }
0xb9: {  	s31 =	sshll.u32 s1, $0xD;
	s1 =	sshrl.u32 s1, $0x2  }
0xba: {  	s3 =	sand.u32 $0x4000, s31;
	s1 =	sadd.s32 s1, s30  }
0xbb: {  	s0 =	sor.u32 s3, s0;
	s1 =	sshll.u32 s1, $0x11  }
0xbc: {  	s0 =	sor.u32 s1, s0  }
0xbd: {  	s0 =	sadd.s32 $0x8F2B, s0  }
0xbe: {  	[sflag:s0] =	ssyncadd.remote.s32 $0x1  }
0xbf: {  	_ =	sfence.sel $0xFFFF  }
0xc0: {  	[dreg:$0x0] =	wrdreg $0xFFFFFFFF;
	(pc) =	sbr.abs _section_cstart, $3  }
0xc1: {  	[dreg:$0x1] =	wrdreg $0xFFFFFFFF  }
0xc2: {  	_ =	task.clear_ibuf [dreg:s8], $0x2FFFF;
	_ =	strace $0x9FFFFFFF  }
0xc3: {  	(tm) =	ssettm $0x7FFFFFFF  }
tec
execute0_lowered:
.L_overlay_start_1:
0x0: {  	(tag) =	ssettag $0x1  }
0x1: {  	s3 =	rddreg [dreg:$0x0];
	s1 =	srdreg.scid  }
0x2: {  	s0 =	rddreg [dreg:$0x1];
	s4 =	stileid.u32;
	s1 =	sand.u32 $0x1, s1  }
0x3: {  	s2 =	simm.s32 $0x0;
	s4 =	sshll.u32 s4, $0x10;
	s5 =	sshll.u32 s1, $0xF  }
0x4: {  	[smem:$0x7FF] =	sst s2;
	s4 =	sor.u32 s5, s4  }
0x5: {  	_ =	strace $0x80000047;
	s5 =	sadd.s32 s3, s4;
	s6 =	sor.u32 $0x1000, s4  }
0x6: {  	s31 =	sadd.s32 s0, s4;
	[dreg:$0x3] =	wrdreg s5;
	s21 =	sadd.s32 s3, s6  }
0x7: {  	s22 =	sadd.s32 $0x100000, s31;
	[dreg:$0x4] =	wrdreg s21  }
0x8: {  	p0 =	por $0x0, $0x0;
	s23 =	sadd.s32 $0x200000, s31;
	[dreg:$0x5] =	wrdreg s22  }
0x9: {  	s7 =	sor.u32 $0x2000, s4;
	s24 =	sadd.s32 $0x300000, s31;
	[dreg:$0x6] =	wrdreg s23  }
0xa: {  	s1 =	ssub.s32 $0x2, s1;
	s25 =	sadd.s32 s3, s7;
	[dreg:$0x7] =	wrdreg s24  }
0xb: {  	s14 =	sshrl.u32 s1, $0x1;
	s26 =	sadd.s32 s0, s6;
	[dreg:$0x8] =	wrdreg s25  }
0xc: {  	s10 =	sor.u32 $0x3000, s4;
	s6 =	sadd.s32 $0x101000, s31;
	[dreg:$0x9] =	wrdreg s26  }
0xd: {  	s1 =	ssub.s32 s1, s14;
	s8 =	sadd.s32 $0x201000, s31;
	[dreg:$0xa] =	wrdreg s6  }
0xe: {  	s18 =	sor.u32 $0x5000, s4;
	s9 =	sadd.s32 $0x301000, s31;
	[dreg:$0xb] =	wrdreg s8  }
0xf: {  	s11 =	sadd.s32 s3, s10;
	s12 =	sadd.s32 s0, s7;
	[dreg:$0xc] =	wrdreg s9  }
0x10: {  	s13 =	sadd.s32 $0x102000, s31;
	s15 =	sadd.s32 $0x202000, s31;
	[dreg:$0xd] =	wrdreg s11  }
0x11: {  	s16 =	sadd.s32 $0x302000, s31;
	s28 =	sadd.s32 $0x103000, s31;
	[dreg:$0xe] =	wrdreg s12  }
0x12: {  	s29 =	sadd.s32 $0x203000, s31;
	s30 =	sadd.s32 $0x303000, s31;
	[dreg:$0xf] =	wrdreg s13  }
0x13: {  	s1 =	smax.u32 s1, $0x1;
	s5 =	sadd.s32 $0x107000, s31;
	[dreg:$0x10] =	wrdreg s15  }
0x14: {  	s7 =	sadd.s32 $0x307000, s31;
	s8 =	sor.u32 $0x4000, s4;
	[dreg:$0x11] =	wrdreg s16  }
0x15: {  	s26 =	sadd.s32 s0, s10;
	s24 =	sadd.s32 s3, s18;
	s21 =	sadd.s32 $0x104000, s31  }
0x16: {  	s22 =	sadd.s32 $0x204000, s31;
	s23 =	sadd.s32 $0x304000, s31;
	s25 =	sor.u32 $0x6000, s4  }
0x17: {  	s15 =	sadd.s32 s0, s18;
	s16 =	sadd.s32 $0x105000, s31;
	s18 =	sadd.s32 $0x305000, s31  }
0x18: {  	s4 =	sor.u32 $0x7000, s4;
	s11 =	sadd.s32 $0x106000, s31;
	s12 =	sadd.s32 $0x206000, s31  }
0x19: {  	s13 =	sadd.s32 $0x306000, s31;
	p1 =	sne.s32 s1, $0x1;
	s6 =	sadd.s32 $0x207000, s31  }
.Ltmp0:
0x1a: {  	s9 =	simm.s32 $0x1;
	s17 =	sadd.s32 s3, s8;
	(pc) =	sbr.rel @!p1 .LBB2_5-.Ltmp0, $4  }
0x1b: {  	s20 =	sadd.s32 s0, s8;
	s19 =	sadd.s32 s3, s25;
	s14 =	sadd.s32 s3, s4  }
0x1c: {  	s10 =	sadd.s32 s0, s25;
	s4 =	sadd.s32 s0, s4;
	s0 =	sadd.s32 $0xFFFFFFFF, s1  }
0x1d: {  	s8 =	simm.s32 $0x8000;
	s25 =	simm.s32 $0x10000;
	s1 =	rddreg [dreg:$0x3]  }
0x1e: {  	s3 =	simm.s32 $0x2;
	[dreg:$0x12] =	wrdreg s17;
	s17 =	sadd.s32 $0x205000, s31  }
0x1f: {  	[dreg:$0x14] =	wrdreg s0  }
0x20: {  	[tilespmem:s2], [sflag:$0x1] =	stream.linear.gather [hbm4b:s1+s2], $0x8000, $0x38;
	[tilespmem:$0x18000] =	vst v63  }
0x21: {  	s0 =	rddreg [dreg:$0x4]  }
0x22: {  	[tilespmem:s8], [sflag:$0x1] =	stream.linear.gather [hbm4b:s0+s2], $0x8000, $0x38;
	[tilespmem:$0x18000] =	vst v63  }
0x23: {  	_ =	swait.ge [sflag:s9], $0x8000  }
0x24: {  	[sflag:s9] =	ssyncset.done $0x0  }
0x25: {  	[sflag:s9] =	ssyncadd.s32 $0xFFFF8000  }
0x26: {  	[hbm4b:s31+s2] =	stream.linear.scatter [tilespmem:s2], [sflag:$0x2], $0x8000, $0x38;
	[tilespmem:$0x18000] =	vst v63  }
0x27: {  	s0 =	rddreg [dreg:$0x5]  }
0x28: {  	[hbm4b:s0+s2] =	stream.linear.scatter [tilespmem:s2], [sflag:$0x2], $0x8000, $0x38;
	[tilespmem:$0x18000] =	vst v63  }
0x29: {  	s1 =	rddreg [dreg:$0x6]  }
0x2a: {  	[hbm4b:s1+s2] =	stream.linear.scatter [tilespmem:s2], [sflag:$0x2], $0x8000, $0x38;
	[tilespmem:$0x18000] =	vst v63  }
0x2b: {  	s0 =	rddreg [dreg:$0x7]  }
0x2c: {  	[hbm4b:s0+s2] =	stream.linear.scatter [tilespmem:s2], [sflag:$0x2], $0x8000, $0x38;
	[tilespmem:$0x18000] =	vst v63  }
0x2d: {  	s1 =	rddreg [dreg:$0x8]  }
0x2e: {  	[tilespmem:s25], [sflag:$0x1] =	stream.linear.gather [hbm4b:s1+s2], $0x8000, $0x38;
	[tilespmem:$0x18000] =	vst v63  }
0x2f: {  	_ =	swait.ge [sflag:s9], $0x8000  }
0x30: {  	[sflag:s9] =	ssyncset.done $0x0  }
0x31: {  	s0 =	rddreg [dreg:$0x9];
	[sflag:s9] =	ssyncadd.s32 $0xFFFF8000  }
0x32: {  	[hbm4b:s0+s2] =	stream.linear.scatter [tilespmem:s8], [sflag:$0x2], $0x8000, $0x38;
	[tilespmem:$0x18000] =	vst v63  }
0x33: {  	s1 =	rddreg [dreg:$0xa]  }
0x34: {  	[hbm4b:s1+s2] =	stream.linear.scatter [tilespmem:s8], [sflag:$0x2], $0x8000, $0x38;
	[tilespmem:$0x18000] =	vst v63  }
0x35: {  	s0 =	rddreg [dreg:$0xb]  }
0x36: {  	[hbm4b:s0+s2] =	stream.linear.scatter [tilespmem:s8], [sflag:$0x2], $0x8000, $0x38;
	[tilespmem:$0x18000] =	vst v63  }
0x37: {  	s1 =	rddreg [dreg:$0xc]  }
0x38: {  	[hbm4b:s1+s2] =	stream.linear.scatter [tilespmem:s8], [sflag:$0x2], $0x8000, $0x38;
	[tilespmem:$0x18000] =	vst v63  }
0x39: {  	_ =	swait.ge [sflag:s3], $0x8000  }
0x3a: {  	[sflag:s3] =	ssyncset.done $0x0  }
0x3b: {  	[sflag:s3] =	ssyncadd.s32 $0xFFFF8000  }
0x3c: {  	_ =	swait.ge [sflag:s3], $0x8000  }
0x3d: {  	[sflag:s3] =	ssyncset.done $0x0  }
0x3e: {  	[sflag:s3] =	ssyncadd.s32 $0xFFFF8000  }
0x3f: {  	_ =	swait.ge [sflag:s3], $0x8000  }
0x40: {  	[sflag:s3] =	ssyncset.done $0x0  }
0x41: {  	[sflag:s3] =	ssyncadd.s32 $0xFFFF8000  }
0x42: {  	_ =	swait.ge [sflag:s3], $0x8000  }
0x43: {  	[sflag:s3] =	ssyncset.done $0x0  }
0x44: {  	s1 =	rddreg [dreg:$0xd];
	[sflag:s3] =	ssyncadd.s32 $0xFFFF8000  }
0x45: {  	[tilespmem:s2], [sflag:$0x1] =	stream.linear.gather [hbm4b:s1+s2], $0x8000, $0x38;
	[tilespmem:$0x18000] =	vst v63  }
0x46: {  	_ =	swait.ge [sflag:s9], $0x8000  }
0x47: {  	[sflag:s9] =	ssyncset.done $0x0  }
0x48: {  	s0 =	rddreg [dreg:$0xe];
	[sflag:s9] =	ssyncadd.s32 $0xFFFF8000  }
0x49: {  	[hbm4b:s0+s2] =	stream.linear.scatter [tilespmem:s25], [sflag:$0x2], $0x8000, $0x38;
	[tilespmem:$0x18000] =	vst v63  }
0x4a: {  	s1 =	rddreg [dreg:$0xf]  }
0x4b: {  	[hbm4b:s1+s2] =	stream.linear.scatter [tilespmem:s25], [sflag:$0x2], $0x8000, $0x38;
	[tilespmem:$0x18000] =	vst v63  }
0x4c: {  	s0 =	rddreg [dreg:$0x10]  }
0x4d: {  	[hbm4b:s0+s2] =	stream.linear.scatter [tilespmem:s25], [sflag:$0x2], $0x8000, $0x38;
	[tilespmem:$0x18000] =	vst v63  }
0x4e: {  	s1 =	rddreg [dreg:$0x11]  }
0x4f: {  	[hbm4b:s1+s2] =	stream.linear.scatter [tilespmem:s25], [sflag:$0x2], $0x8000, $0x38;
	[tilespmem:$0x18000] =	vst v63  }
0x50: {  	_ =	swait.ge [sflag:s3], $0x8000  }
0x51: {  	[sflag:s3] =	ssyncset.done $0x0  }
0x52: {  	[sflag:s3] =	ssyncadd.s32 $0xFFFF8000  }
0x53: {  	_ =	swait.ge [sflag:s3], $0x8000  }
0x54: {  	[sflag:s3] =	ssyncset.done $0x0  }
0x55: {  	[sflag:s3] =	ssyncadd.s32 $0xFFFF8000  }
0x56: {  	_ =	swait.ge [sflag:s3], $0x8000  }
0x57: {  	[sflag:s3] =	ssyncset.done $0x0  }
0x58: {  	[sflag:s3] =	ssyncadd.s32 $0xFFFF8000  }
0x59: {  	_ =	swait.ge [sflag:s3], $0x8000  }
0x5a: {  	[sflag:s3] =	ssyncset.done $0x0  }
0x5b: {  	s1 =	rddreg [dreg:$0x12];
	[sflag:s3] =	ssyncadd.s32 $0xFFFF8000  }
0x5c: {  	[tilespmem:s8], [sflag:$0x1] =	stream.linear.gather [hbm4b:s1+s2], $0x8000, $0x38;
	[tilespmem:$0x18000] =	vst v63  }
0x5d: {  	_ =	swait.ge [sflag:s9], $0x8000  }
0x5e: {  	[sflag:s9] =	ssyncset.done $0x0  }
0x5f: {  	[sflag:s9] =	ssyncadd.s32 $0xFFFF8000  }
0x60: {  	[hbm4b:s26+s2] =	stream.linear.scatter [tilespmem:s2], [sflag:$0x2], $0x8000, $0x38;
	[tilespmem:$0x18000] =	vst v63  }
0x61: {  	_ = 	snop  }
0x62: {  	[hbm4b:s28+s2] =	stream.linear.scatter [tilespmem:s2], [sflag:$0x2], $0x8000, $0x38;
	[tilespmem:$0x18000] =	vst v63  }
0x63: {  	_ = 	snop  }
0x64: {  	[hbm4b:s29+s2] =	stream.linear.scatter [tilespmem:s2], [sflag:$0x2], $0x8000, $0x38;
	[tilespmem:$0x18000] =	vst v63  }
0x65: {  	_ = 	snop  }
0x66: {  	[hbm4b:s30+s2] =	stream.linear.scatter [tilespmem:s2], [sflag:$0x2], $0x8000, $0x38;
	[tilespmem:$0x18000] =	vst v63  }
0x67: {  	_ =	swait.ge [sflag:s3], $0x8000  }
0x68: {  	[sflag:s3] =	ssyncset.done $0x0  }
0x69: {  	[sflag:s3] =	ssyncadd.s32 $0xFFFF8000  }
0x6a: {  	_ =	swait.ge [sflag:s3], $0x8000  }
0x6b: {  	[sflag:s3] =	ssyncset.done $0x0  }
0x6c: {  	[sflag:s3] =	ssyncadd.s32 $0xFFFF8000  }
0x6d: {  	_ =	swait.ge [sflag:s3], $0x8000  }
0x6e: {  	[sflag:s3] =	ssyncset.done $0x0  }
0x6f: {  	[sflag:s3] =	ssyncadd.s32 $0xFFFF8000  }
0x70: {  	_ =	swait.ge [sflag:s3], $0x8000  }
0x71: {  	[sflag:s3] =	ssyncset.done $0x0  }
0x72: {  	[sflag:s3] =	ssyncadd.s32 $0xFFFF8000  }
0x73: {  	[tilespmem:s25], [sflag:$0x1] =	stream.linear.gather [hbm4b:s24+s2], $0x8000, $0x38;
	[tilespmem:$0x18000] =	vst v63  }
0x74: {  	_ =	swait.ge [sflag:s9], $0x8000  }
0x75: {  	[sflag:s9] =	ssyncset.done $0x0  }
0x76: {  	[sflag:s9] =	ssyncadd.s32 $0xFFFF8000  }
0x77: {  	[hbm4b:s20+s2] =	stream.linear.scatter [tilespmem:s8], [sflag:$0x2], $0x8000, $0x38;
	[tilespmem:$0x18000] =	vst v63  }
0x78: {  	_ = 	snop  }
0x79: {  	[hbm4b:s21+s2] =	stream.linear.scatter [tilespmem:s8], [sflag:$0x2], $0x8000, $0x38;
	[tilespmem:$0x18000] =	vst v63  }
0x7a: {  	_ = 	snop  }
0x7b: {  	[hbm4b:s22+s2] =	stream.linear.scatter [tilespmem:s8], [sflag:$0x2], $0x8000, $0x38;
	[tilespmem:$0x18000] =	vst v63  }
0x7c: {  	_ = 	snop  }
0x7d: {  	[hbm4b:s23+s2] =	stream.linear.scatter [tilespmem:s8], [sflag:$0x2], $0x8000, $0x38;
	[tilespmem:$0x18000] =	vst v63  }
0x7e: {  	_ =	swait.ge [sflag:s3], $0x8000  }
0x7f: {  	[sflag:s3] =	ssyncset.done $0x0  }
0x80: {  	[sflag:s3] =	ssyncadd.s32 $0xFFFF8000  }
0x81: {  	_ =	swait.ge [sflag:s3], $0x8000  }
0x82: {  	[sflag:s3] =	ssyncset.done $0x0  }
0x83: {  	[sflag:s3] =	ssyncadd.s32 $0xFFFF8000  }
0x84: {  	_ =	swait.ge [sflag:s3], $0x8000  }
0x85: {  	[sflag:s3] =	ssyncset.done $0x0  }
0x86: {  	[sflag:s3] =	ssyncadd.s32 $0xFFFF8000  }
0x87: {  	_ =	swait.ge [sflag:s3], $0x8000  }
0x88: {  	[sflag:s3] =	ssyncset.done $0x0  }
0x89: {  	[sflag:s3] =	ssyncadd.s32 $0xFFFF8000  }
0x8a: {  	[tilespmem:s2], [sflag:$0x1] =	stream.linear.gather [hbm4b:s19+s2], $0x8000, $0x38;
	[tilespmem:$0x18000] =	vst v63  }
0x8b: {  	_ =	swait.ge [sflag:s9], $0x8000  }
0x8c: {  	[sflag:s9] =	ssyncset.done $0x0  }
0x8d: {  	[sflag:s9] =	ssyncadd.s32 $0xFFFF8000  }
0x8e: {  	[hbm4b:s15+s2] =	stream.linear.scatter [tilespmem:s25], [sflag:$0x2], $0x8000, $0x38;
	[tilespmem:$0x18000] =	vst v63  }
0x8f: {  	_ = 	snop  }
0x90: {  	[hbm4b:s16+s2] =	stream.linear.scatter [tilespmem:s25], [sflag:$0x2], $0x8000, $0x38;
	[tilespmem:$0x18000] =	vst v63  }
0x91: {  	_ = 	snop  }
0x92: {  	[hbm4b:s17+s2] =	stream.linear.scatter [tilespmem:s25], [sflag:$0x2], $0x8000, $0x38;
	[tilespmem:$0x18000] =	vst v63  }
0x93: {  	_ = 	snop  }
0x94: {  	[hbm4b:s18+s2] =	stream.linear.scatter [tilespmem:s25], [sflag:$0x2], $0x8000, $0x38;
	[tilespmem:$0x18000] =	vst v63  }
0x95: {  	_ =	swait.ge [sflag:s3], $0x8000  }
0x96: {  	[sflag:s3] =	ssyncset.done $0x0  }
0x97: {  	[sflag:s3] =	ssyncadd.s32 $0xFFFF8000  }
0x98: {  	_ =	swait.ge [sflag:s3], $0x8000  }
0x99: {  	[sflag:s3] =	ssyncset.done $0x0  }
0x9a: {  	[sflag:s3] =	ssyncadd.s32 $0xFFFF8000  }
0x9b: {  	_ =	swait.ge [sflag:s3], $0x8000  }
0x9c: {  	[sflag:s3] =	ssyncset.done $0x0  }
0x9d: {  	[sflag:s3] =	ssyncadd.s32 $0xFFFF8000  }
0x9e: {  	_ =	swait.ge [sflag:s3], $0x8000  }
0x9f: {  	[sflag:s3] =	ssyncset.done $0x0  }
0xa0: {  	[sflag:s3] =	ssyncadd.s32 $0xFFFF8000  }
0xa1: {  	[tilespmem:s8], [sflag:$0x1] =	stream.linear.gather [hbm4b:s14+s2], $0x8000, $0x38;
	[tilespmem:$0x18000] =	vst v63  }
0xa2: {  	_ =	swait.ge [sflag:s9], $0x8000  }
0xa3: {  	[sflag:s9] =	ssyncset.done $0x0  }
0xa4: {  	[sflag:s9] =	ssyncadd.s32 $0xFFFF8000  }
0xa5: {  	[hbm4b:s10+s2] =	stream.linear.scatter [tilespmem:s2], [sflag:$0x2], $0x8000, $0x38;
	[tilespmem:$0x18000] =	vst v63  }
0xa6: {  	_ = 	snop  }
0xa7: {  	[hbm4b:s11+s2] =	stream.linear.scatter [tilespmem:s2], [sflag:$0x2], $0x8000, $0x38;
	[tilespmem:$0x18000] =	vst v63  }
0xa8: {  	_ = 	snop  }
0xa9: {  	[hbm4b:s12+s2] =	stream.linear.scatter [tilespmem:s2], [sflag:$0x2], $0x8000, $0x38;
	[tilespmem:$0x18000] =	vst v63  }
0xaa: {  	_ = 	snop  }
0xab: {  	[hbm4b:s13+s2] =	stream.linear.scatter [tilespmem:s2], [sflag:$0x2], $0x8000, $0x38;
	[tilespmem:$0x18000] =	vst v63  }
0xac: {  	_ =	swait.ge [sflag:s3], $0x8000  }
0xad: {  	[sflag:s3] =	ssyncset.done $0x0  }
0xae: {  	[sflag:s3] =	ssyncadd.s32 $0xFFFF8000  }
0xaf: {  	_ =	swait.ge [sflag:s3], $0x8000  }
0xb0: {  	[sflag:s3] =	ssyncset.done $0x0  }
0xb1: {  	[sflag:s3] =	ssyncadd.s32 $0xFFFF8000  }
0xb2: {  	_ =	swait.ge [sflag:s3], $0x8000  }
0xb3: {  	[sflag:s3] =	ssyncset.done $0x0  }
0xb4: {  	[sflag:s3] =	ssyncadd.s32 $0xFFFF8000  }
0xb5: {  	_ =	swait.ge [sflag:s3], $0x8000  }
0xb6: {  	[sflag:s3] =	ssyncset.done $0x0  }
0xb7: {  	[sflag:s3] =	ssyncadd.s32 $0xFFFF8000  }
0xb8: {  	_ =	swait.ge [sflag:s9], $0x8000  }
0xb9: {  	[sflag:s9] =	ssyncset.done $0x0  }
0xba: {  	[sflag:s9] =	ssyncadd.s32 $0xFFFF8000  }
0xbb: {  	[hbm4b:s4+s2] =	stream.linear.scatter [tilespmem:s8], [sflag:$0x2], $0x8000, $0x38;
	[tilespmem:$0x18000] =	vst v63  }
0xbc: {  	_ = 	snop  }
0xbd: {  	[hbm4b:s5+s2] =	stream.linear.scatter [tilespmem:s8], [sflag:$0x2], $0x8000, $0x38;
	[tilespmem:$0x18000] =	vst v63  }
0xbe: {  	_ = 	snop  }
0xbf: {  	[hbm4b:s6+s2] =	stream.linear.scatter [tilespmem:s8], [sflag:$0x2], $0x8000, $0x38;
	[tilespmem:$0x18000] =	vst v63  }
0xc0: {  	_ = 	snop  }
0xc1: {  	[hbm4b:s7+s2] =	stream.linear.scatter [tilespmem:s8], [sflag:$0x2], $0x8000, $0x38;
	[tilespmem:$0x18000] =	vst v63  }
0xc2: {  	_ =	swait.ge [sflag:s3], $0x8000  }
0xc3: {  	[sflag:s3] =	ssyncset.done $0x0  }
0xc4: {  	[sflag:s3] =	ssyncadd.s32 $0xFFFF8000  }
0xc5: {  	_ =	swait.ge [sflag:s3], $0x8000  }
0xc6: {  	[sflag:s3] =	ssyncset.done $0x0  }
0xc7: {  	[sflag:s3] =	ssyncadd.s32 $0xFFFF8000  }
0xc8: {  	_ =	swait.ge [sflag:s3], $0x8000  }
0xc9: {  	[sflag:s3] =	ssyncset.done $0x0  }
0xca: {  	[sflag:s3] =	ssyncadd.s32 $0xFFFF8000  }
0xcb: {  	_ =	swait.ge [sflag:s3], $0x8000  }
0xcc: {  	[sflag:s3] =	ssyncset.done $0x0  }
0xcd: {  	[sflag:s3] =	ssyncadd.s32 $0xFFFF8000  }
0xce: {  	_ =	swait.ge [sflag:s3], $0x8000  }
0xcf: {  	[sflag:s3] =	ssyncset.done $0x0  }
0xd0: {  	[sflag:s3] =	ssyncadd.s32 $0xFFFF8000  }
0xd1: {  	_ =	swait.ge [sflag:s3], $0x8000  }
0xd2: {  	[sflag:s3] =	ssyncset.done $0x0  }
0xd3: {  	[sflag:s3] =	ssyncadd.s32 $0xFFFF8000  }
0xd4: {  	_ =	swait.ge [sflag:s3], $0x8000  }
0xd5: {  	s1 =	rddreg [dreg:$0x14]  }
0xd6: {  	p1 =	sne.s32 s1, $0x1  }
.Ltmp1:
0xd7: {  	_ = 	snop;
	(pc) =	sbr.rel @!p1 .LBB2_2-.Ltmp1, $4  }
0xd8: {  	[sflag:s3] =	ssyncset.done $0x0  }
0xd9: {  	[sflag:s3] =	ssyncadd.s32 $0xFFFF8000  }
0xda: {  	p0 =	por $0x1, $0x1;
	_ =	swait.ge [sflag:s3], $0x8000;
	[dreg:$0x13] =	wrdreg s31  }
0xdb: {  	s0 =	sadd.s32 $0xFFFFFFFF, s1;
	s1 =	rddreg [dreg:$0x3];
	[sflag:s3] =	ssyncset.done $0x0  }
.LBB2_3:
0xdc: {  	[sflag:s3] =	ssyncadd.s32 $0xFFFF8000  }
0xdd: {  	s31 =	smov.u32 s30;
	s30 =	smov.u32 s29;
	s29 =	smov.u32 s28  }
0xde: {  	s28 =	smov.u32 s26;
	s26 =	smov.u32 s24;
	s24 =	smov.u32 s23  }
0xdf: {  	s23 =	smov.u32 s22;
	s22 =	smov.u32 s21;
	s21 =	smov.u32 s20  }
0xe0: {  	s20 =	smov.u32 s19;
	s19 =	smov.u32 s18;
	s18 =	smov.u32 s17  }
0xe1: {  	s17 =	smov.u32 s16;
	s16 =	smov.u32 s15;
	s15 =	smov.u32 s14  }
0xe2: {  	s14 =	smov.u32 s13;
	s13 =	smov.u32 s12;
	s12 =	smov.u32 s11  }
0xe3: {  	s11 =	smov.u32 s10;
	s10 =	smov.u32 s7;
	s7 =	smov.u32 s6  }
0xe4: {  	[tilespmem:s2], [sflag:$0x1] =	stream.linear.gather [hbm4b:s1+s2], $0x8000, $0x38;
	[tilespmem:$0x18000] =	vst v63  }
0xe5: {  	s6 =	smov.u32 s5;
	s5 =	smov.u32 s4;
	s4 =	rddreg [dreg:$0x4]  }
0xe6: {  	[tilespmem:s8], [sflag:$0x1] =	stream.linear.gather [hbm4b:s4+s2], $0x8000, $0x38;
	[tilespmem:$0x18000] =	vst v63  }
0xe7: {  	_ =	swait.ge [sflag:s9], $0x8000  }
0xe8: {  	[sflag:s9] =	ssyncset.done $0x0  }
0xe9: {  	s4 =	rddreg [dreg:$0x13];
	[sflag:s9] =	ssyncadd.s32 $0xFFFF8000  }
0xea: {  	[hbm4b:s4+s2] =	stream.linear.scatter [tilespmem:s2], [sflag:$0x2], $0x8000, $0x38;
	[tilespmem:$0x18000] =	vst v63  }
0xeb: {  	s1 =	rddreg [dreg:$0x5]  }
0xec: {  	[hbm4b:s1+s2] =	stream.linear.scatter [tilespmem:s2], [sflag:$0x2], $0x8000, $0x38;
	[tilespmem:$0x18000] =	vst v63  }
0xed: {  	s4 =	rddreg [dreg:$0x6]  }
0xee: {  	[hbm4b:s4+s2] =	stream.linear.scatter [tilespmem:s2], [sflag:$0x2], $0x8000, $0x38;
	[tilespmem:$0x18000] =	vst v63  }
0xef: {  	s1 =	rddreg [dreg:$0x7]  }
0xf0: {  	[hbm4b:s1+s2] =	stream.linear.scatter [tilespmem:s2], [sflag:$0x2], $0x8000, $0x38;
	[tilespmem:$0x18000] =	vst v63  }
0xf1: {  	s4 =	rddreg [dreg:$0x8]  }
0xf2: {  	[tilespmem:s25], [sflag:$0x1] =	stream.linear.gather [hbm4b:s4+s2], $0x8000, $0x38;
	[tilespmem:$0x18000] =	vst v63  }
0xf3: {  	_ =	swait.ge [sflag:s9], $0x8000  }
0xf4: {  	[sflag:s9] =	ssyncset.done $0x0  }
0xf5: {  	s1 =	rddreg [dreg:$0x9];
	[sflag:s9] =	ssyncadd.s32 $0xFFFF8000  }
0xf6: {  	[hbm4b:s1+s2] =	stream.linear.scatter [tilespmem:s8], [sflag:$0x2], $0x8000, $0x38;
	[tilespmem:$0x18000] =	vst v63  }
0xf7: {  	s4 =	rddreg [dreg:$0xa]  }
0xf8: {  	[hbm4b:s4+s2] =	stream.linear.scatter [tilespmem:s8], [sflag:$0x2], $0x8000, $0x38;
	[tilespmem:$0x18000] =	vst v63  }
0xf9: {  	s1 =	rddreg [dreg:$0xb]  }
0xfa: {  	[hbm4b:s1+s2] =	stream.linear.scatter [tilespmem:s8], [sflag:$0x2], $0x8000, $0x38;
	[tilespmem:$0x18000] =	vst v63  }
0xfb: {  	s4 =	rddreg [dreg:$0xc]  }
0xfc: {  	[hbm4b:s4+s2] =	stream.linear.scatter [tilespmem:s8], [sflag:$0x2], $0x8000, $0x38;
	[tilespmem:$0x18000] =	vst v63  }
0xfd: {  	_ =	swait.ge [sflag:s3], $0x8000  }
0xfe: {  	[sflag:s3] =	ssyncset.done $0x0  }
0xff: {  	[sflag:s3] =	ssyncadd.s32 $0xFFFF8000  }
0x100: {  	_ =	swait.ge [sflag:s3], $0x8000  }
0x101: {  	[sflag:s3] =	ssyncset.done $0x0  }
0x102: {  	[sflag:s3] =	ssyncadd.s32 $0xFFFF8000  }
0x103: {  	_ =	swait.ge [sflag:s3], $0x8000  }
0x104: {  	[sflag:s3] =	ssyncset.done $0x0  }
0x105: {  	[sflag:s3] =	ssyncadd.s32 $0xFFFF8000  }
0x106: {  	_ =	swait.ge [sflag:s3], $0x8000  }
0x107: {  	[sflag:s3] =	ssyncset.done $0x0  }
0x108: {  	s4 =	rddreg [dreg:$0xd];
	[sflag:s3] =	ssyncadd.s32 $0xFFFF8000  }
0x109: {  	[tilespmem:s2], [sflag:$0x1] =	stream.linear.gather [hbm4b:s4+s2], $0x8000, $0x38;
	[tilespmem:$0x18000] =	vst v63  }
0x10a: {  	_ =	swait.ge [sflag:s9], $0x8000  }
0x10b: {  	[sflag:s9] =	ssyncset.done $0x0  }
0x10c: {  	s1 =	rddreg [dreg:$0xe];
	[sflag:s9] =	ssyncadd.s32 $0xFFFF8000  }
0x10d: {  	[hbm4b:s1+s2] =	stream.linear.scatter [tilespmem:s25], [sflag:$0x2], $0x8000, $0x38;
	[tilespmem:$0x18000] =	vst v63  }
0x10e: {  	s4 =	rddreg [dreg:$0xf]  }
0x10f: {  	[hbm4b:s4+s2] =	stream.linear.scatter [tilespmem:s25], [sflag:$0x2], $0x8000, $0x38;
	[tilespmem:$0x18000] =	vst v63  }
0x110: {  	s1 =	rddreg [dreg:$0x10]  }
0x111: {  	[hbm4b:s1+s2] =	stream.linear.scatter [tilespmem:s25], [sflag:$0x2], $0x8000, $0x38;
	[tilespmem:$0x18000] =	vst v63  }
0x112: {  	s4 =	rddreg [dreg:$0x11]  }
0x113: {  	[hbm4b:s4+s2] =	stream.linear.scatter [tilespmem:s25], [sflag:$0x2], $0x8000, $0x38;
	[tilespmem:$0x18000] =	vst v63  }
0x114: {  	_ =	swait.ge [sflag:s3], $0x8000  }
0x115: {  	[sflag:s3] =	ssyncset.done $0x0  }
0x116: {  	[sflag:s3] =	ssyncadd.s32 $0xFFFF8000  }
0x117: {  	_ =	swait.ge [sflag:s3], $0x8000  }
0x118: {  	s4 =	smov.u32 s5;
	[sflag:s3] =	ssyncset.done $0x0  }
0x119: {  	s5 =	smov.u32 s6;
	s6 =	smov.u32 s7;
	[sflag:s3] =	ssyncadd.s32 $0xFFFF8000  }
0x11a: {  	s7 =	smov.u32 s10;
	s10 =	smov.u32 s11;
	_ =	swait.ge [sflag:s3], $0x8000  }
0x11b: {  	s11 =	smov.u32 s12;
	s12 =	smov.u32 s13;
	[sflag:s3] =	ssyncset.done $0x0  }
0x11c: {  	s13 =	smov.u32 s14;
	s14 =	smov.u32 s15;
	[sflag:s3] =	ssyncadd.s32 $0xFFFF8000  }
0x11d: {  	s15 =	smov.u32 s16;
	s16 =	smov.u32 s17;
	_ =	swait.ge [sflag:s3], $0x8000  }
0x11e: {  	s17 =	smov.u32 s18;
	s18 =	smov.u32 s19;
	[sflag:s3] =	ssyncset.done $0x0  }
0x11f: {  	s19 =	smov.u32 s20;
	s1 =	rddreg [dreg:$0x12];
	[sflag:s3] =	ssyncadd.s32 $0xFFFF8000  }
0x120: {  	[tilespmem:s8], [sflag:$0x1] =	stream.linear.gather [hbm4b:s1+s2], $0x8000, $0x38;
	[tilespmem:$0x18000] =	vst v63  }
0x121: {  	s20 =	smov.u32 s21;
	s21 =	smov.u32 s22;
	_ =	swait.ge [sflag:s9], $0x8000  }
0x122: {  	s22 =	smov.u32 s23;
	s23 =	smov.u32 s24;
	[sflag:s9] =	ssyncset.done $0x0  }
0x123: {  	s24 =	smov.u32 s26;
	s26 =	smov.u32 s28;
	[sflag:s9] =	ssyncadd.s32 $0xFFFF8000  }
0x124: {  	[hbm4b:s26+s2] =	stream.linear.scatter [tilespmem:s2], [sflag:$0x2], $0x8000, $0x38;
	[tilespmem:$0x18000] =	vst v63  }
0x125: {  	s28 =	smov.u32 s29  }
0x126: {  	[hbm4b:s28+s2] =	stream.linear.scatter [tilespmem:s2], [sflag:$0x2], $0x8000, $0x38;
	[tilespmem:$0x18000] =	vst v63  }
0x127: {  	s29 =	smov.u32 s30  }
0x128: {  	[hbm4b:s29+s2] =	stream.linear.scatter [tilespmem:s2], [sflag:$0x2], $0x8000, $0x38;
	[tilespmem:$0x18000] =	vst v63  }
0x129: {  	_ = 	snop  }
0x12a: {  	[hbm4b:s31+s2] =	stream.linear.scatter [tilespmem:s2], [sflag:$0x2], $0x8000, $0x38;
	[tilespmem:$0x18000] =	vst v63  }
0x12b: {  	_ =	swait.ge [sflag:s3], $0x8000  }
0x12c: {  	[sflag:s3] =	ssyncset.done $0x0  }
0x12d: {  	[sflag:s3] =	ssyncadd.s32 $0xFFFF8000  }
0x12e: {  	_ =	swait.ge [sflag:s3], $0x8000  }
0x12f: {  	[sflag:s3] =	ssyncset.done $0x0  }
0x130: {  	[sflag:s3] =	ssyncadd.s32 $0xFFFF8000  }
0x131: {  	_ =	swait.ge [sflag:s3], $0x8000  }
0x132: {  	[sflag:s3] =	ssyncset.done $0x0  }
0x133: {  	[sflag:s3] =	ssyncadd.s32 $0xFFFF8000  }
0x134: {  	_ =	swait.ge [sflag:s3], $0x8000  }
0x135: {  	[sflag:s3] =	ssyncset.done $0x0  }
0x136: {  	[sflag:s3] =	ssyncadd.s32 $0xFFFF8000  }
0x137: {  	[tilespmem:s25], [sflag:$0x1] =	stream.linear.gather [hbm4b:s24+s2], $0x8000, $0x38;
	[tilespmem:$0x18000] =	vst v63  }
0x138: {  	_ =	swait.ge [sflag:s9], $0x8000  }
0x139: {  	[sflag:s9] =	ssyncset.done $0x0  }
0x13a: {  	[sflag:s9] =	ssyncadd.s32 $0xFFFF8000  }
0x13b: {  	[hbm4b:s20+s2] =	stream.linear.scatter [tilespmem:s8], [sflag:$0x2], $0x8000, $0x38;
	[tilespmem:$0x18000] =	vst v63  }
0x13c: {  	_ = 	snop  }
0x13d: {  	[hbm4b:s21+s2] =	stream.linear.scatter [tilespmem:s8], [sflag:$0x2], $0x8000, $0x38;
	[tilespmem:$0x18000] =	vst v63  }
0x13e: {  	_ = 	snop  }
0x13f: {  	[hbm4b:s22+s2] =	stream.linear.scatter [tilespmem:s8], [sflag:$0x2], $0x8000, $0x38;
	[tilespmem:$0x18000] =	vst v63  }
0x140: {  	_ = 	snop  }
0x141: {  	[hbm4b:s23+s2] =	stream.linear.scatter [tilespmem:s8], [sflag:$0x2], $0x8000, $0x38;
	[tilespmem:$0x18000] =	vst v63  }
0x142: {  	_ =	swait.ge [sflag:s3], $0x8000  }
0x143: {  	[sflag:s3] =	ssyncset.done $0x0  }
0x144: {  	[sflag:s3] =	ssyncadd.s32 $0xFFFF8000  }
0x145: {  	_ =	swait.ge [sflag:s3], $0x8000  }
0x146: {  	[sflag:s3] =	ssyncset.done $0x0  }
0x147: {  	[sflag:s3] =	ssyncadd.s32 $0xFFFF8000  }
0x148: {  	_ =	swait.ge [sflag:s3], $0x8000  }
0x149: {  	[sflag:s3] =	ssyncset.done $0x0  }
0x14a: {  	[sflag:s3] =	ssyncadd.s32 $0xFFFF8000  }
0x14b: {  	_ =	swait.ge [sflag:s3], $0x8000  }
0x14c: {  	[sflag:s3] =	ssyncset.done $0x0  }
0x14d: {  	[sflag:s3] =	ssyncadd.s32 $0xFFFF8000  }
0x14e: {  	[tilespmem:s2], [sflag:$0x1] =	stream.linear.gather [hbm4b:s19+s2], $0x8000, $0x38;
	[tilespmem:$0x18000] =	vst v63  }
0x14f: {  	_ =	swait.ge [sflag:s9], $0x8000  }
0x150: {  	[sflag:s9] =	ssyncset.done $0x0  }
0x151: {  	[sflag:s9] =	ssyncadd.s32 $0xFFFF8000  }
0x152: {  	[hbm4b:s15+s2] =	stream.linear.scatter [tilespmem:s25], [sflag:$0x2], $0x8000, $0x38;
	[tilespmem:$0x18000] =	vst v63  }
0x153: {  	_ = 	snop  }
0x154: {  	[hbm4b:s16+s2] =	stream.linear.scatter [tilespmem:s25], [sflag:$0x2], $0x8000, $0x38;
	[tilespmem:$0x18000] =	vst v63  }
0x155: {  	_ = 	snop  }
0x156: {  	[hbm4b:s17+s2] =	stream.linear.scatter [tilespmem:s25], [sflag:$0x2], $0x8000, $0x38;
	[tilespmem:$0x18000] =	vst v63  }
0x157: {  	_ = 	snop  }
0x158: {  	[hbm4b:s18+s2] =	stream.linear.scatter [tilespmem:s25], [sflag:$0x2], $0x8000, $0x38;
	[tilespmem:$0x18000] =	vst v63  }
0x159: {  	_ =	swait.ge [sflag:s3], $0x8000  }
0x15a: {  	[sflag:s3] =	ssyncset.done $0x0  }
0x15b: {  	[sflag:s3] =	ssyncadd.s32 $0xFFFF8000  }
0x15c: {  	_ =	swait.ge [sflag:s3], $0x8000  }
0x15d: {  	[sflag:s3] =	ssyncset.done $0x0  }
0x15e: {  	[sflag:s3] =	ssyncadd.s32 $0xFFFF8000  }
0x15f: {  	_ =	swait.ge [sflag:s3], $0x8000  }
0x160: {  	[sflag:s3] =	ssyncset.done $0x0  }
0x161: {  	[sflag:s3] =	ssyncadd.s32 $0xFFFF8000  }
0x162: {  	_ =	swait.ge [sflag:s3], $0x8000  }
0x163: {  	[sflag:s3] =	ssyncset.done $0x0  }
0x164: {  	[sflag:s3] =	ssyncadd.s32 $0xFFFF8000  }
0x165: {  	[tilespmem:s8], [sflag:$0x1] =	stream.linear.gather [hbm4b:s14+s2], $0x8000, $0x38;
	[tilespmem:$0x18000] =	vst v63  }
0x166: {  	_ =	swait.ge [sflag:s9], $0x8000  }
0x167: {  	[sflag:s9] =	ssyncset.done $0x0  }
0x168: {  	[sflag:s9] =	ssyncadd.s32 $0xFFFF8000  }
0x169: {  	[hbm4b:s10+s2] =	stream.linear.scatter [tilespmem:s2], [sflag:$0x2], $0x8000, $0x38;
	[tilespmem:$0x18000] =	vst v63  }
0x16a: {  	_ = 	snop  }
0x16b: {  	[hbm4b:s11+s2] =	stream.linear.scatter [tilespmem:s2], [sflag:$0x2], $0x8000, $0x38;
	[tilespmem:$0x18000] =	vst v63  }
0x16c: {  	_ = 	snop  }
0x16d: {  	[hbm4b:s12+s2] =	stream.linear.scatter [tilespmem:s2], [sflag:$0x2], $0x8000, $0x38;
	[tilespmem:$0x18000] =	vst v63  }
0x16e: {  	_ = 	snop  }
0x16f: {  	[hbm4b:s13+s2] =	stream.linear.scatter [tilespmem:s2], [sflag:$0x2], $0x8000, $0x38;
	[tilespmem:$0x18000] =	vst v63  }
0x170: {  	_ =	swait.ge [sflag:s3], $0x8000  }
0x171: {  	[sflag:s3] =	ssyncset.done $0x0  }
0x172: {  	[sflag:s3] =	ssyncadd.s32 $0xFFFF8000  }
0x173: {  	_ =	swait.ge [sflag:s3], $0x8000  }
0x174: {  	[sflag:s3] =	ssyncset.done $0x0  }
0x175: {  	[sflag:s3] =	ssyncadd.s32 $0xFFFF8000  }
0x176: {  	_ =	swait.ge [sflag:s3], $0x8000  }
0x177: {  	[sflag:s3] =	ssyncset.done $0x0  }
0x178: {  	[sflag:s3] =	ssyncadd.s32 $0xFFFF8000  }
0x179: {  	_ =	swait.ge [sflag:s3], $0x8000  }
0x17a: {  	[sflag:s3] =	ssyncset.done $0x0  }
0x17b: {  	[sflag:s3] =	ssyncadd.s32 $0xFFFF8000  }
0x17c: {  	_ =	swait.ge [sflag:s9], $0x8000  }
0x17d: {  	[sflag:s9] =	ssyncset.done $0x0  }
0x17e: {  	[sflag:s9] =	ssyncadd.s32 $0xFFFF8000  }
0x17f: {  	[hbm4b:s4+s2] =	stream.linear.scatter [tilespmem:s8], [sflag:$0x2], $0x8000, $0x38;
	[tilespmem:$0x18000] =	vst v63  }
0x180: {  	_ = 	snop  }
0x181: {  	[hbm4b:s5+s2] =	stream.linear.scatter [tilespmem:s8], [sflag:$0x2], $0x8000, $0x38;
	[tilespmem:$0x18000] =	vst v63  }
0x182: {  	_ = 	snop  }
0x183: {  	[hbm4b:s6+s2] =	stream.linear.scatter [tilespmem:s8], [sflag:$0x2], $0x8000, $0x38;
	[tilespmem:$0x18000] =	vst v63  }
0x184: {  	_ = 	snop  }
0x185: {  	[hbm4b:s7+s2] =	stream.linear.scatter [tilespmem:s8], [sflag:$0x2], $0x8000, $0x38;
	[tilespmem:$0x18000] =	vst v63  }
0x186: {  	_ =	swait.ge [sflag:s3], $0x8000  }
0x187: {  	[sflag:s3] =	ssyncset.done $0x0  }
0x188: {  	[sflag:s3] =	ssyncadd.s32 $0xFFFF8000  }
0x189: {  	_ =	swait.ge [sflag:s3], $0x8000  }
0x18a: {  	[sflag:s3] =	ssyncset.done $0x0  }
0x18b: {  	[sflag:s3] =	ssyncadd.s32 $0xFFFF8000  }
0x18c: {  	_ =	swait.ge [sflag:s3], $0x8000  }
0x18d: {  	[sflag:s3] =	ssyncset.done $0x0  }
0x18e: {  	[sflag:s3] =	ssyncadd.s32 $0xFFFF8000  }
0x18f: {  	_ =	swait.ge [sflag:s3], $0x8000  }
0x190: {  	[sflag:s3] =	ssyncset.done $0x0  }
0x191: {  	[sflag:s3] =	ssyncadd.s32 $0xFFFF8000  }
0x192: {  	_ =	swait.ge [sflag:s3], $0x8000  }
0x193: {  	[sflag:s3] =	ssyncset.done $0x0  }
0x194: {  	[sflag:s3] =	ssyncadd.s32 $0xFFFF8000  }
0x195: {  	_ =	swait.ge [sflag:s3], $0x8000  }
0x196: {  	[sflag:s3] =	ssyncset.done $0x0  }
0x197: {  	p1 =	sne.s32 s0, $0x1;
	[sflag:s3] =	ssyncadd.s32 $0xFFFF8000  }
.Ltmp2:
0x198: {  	_ =	swait.ge [sflag:s3], $0x8000;
	(pc) =	sbr.rel @p1 .LBB2_3-.Ltmp2, $4  }
0x199: {  	[sflag:s3] =	ssyncset.done $0x0  }
0x19a: {  	[sflag:s3] =	ssyncadd.s32 $0xFFFF8000  }
0x19b: {  	s0 =	sadd.s32 $0xFFFFFFFF, s0;
	_ =	swait.ge [sflag:s3], $0x8000  }
0x19c: {  	s30 =	smov.u32 s31;
	s1 =	rddreg [dreg:$0x3];
	[sflag:s3] =	ssyncset.done $0x0  }
0x19d: {  	s31 =	rddreg [dreg:$0x13]  }
.LBB2_5:
0x19e: {  	[sflag:s3] =	ssyncadd.s32 @p0 $0xFFFF8000  }
0x19f: {  	[tilespmem:s2], [sflag:$0x1] =	stream.linear.gather [hbm4b:s1+s2], $0x8000, $0x38;
	[tilespmem:$0x18000] =	vst v63  }
0x1a0: {  	s0 =	rddreg [dreg:$0x4]  }
0x1a1: {  	[tilespmem:s8], [sflag:$0x1] =	stream.linear.gather [hbm4b:s0+s2], $0x8000, $0x38;
	[tilespmem:$0x18000] =	vst v63  }
0x1a2: {  	_ =	swait.ge [sflag:s9], $0x8000  }
0x1a3: {  	[sflag:s9] =	ssyncset.done $0x0  }
0x1a4: {  	[sflag:s9] =	ssyncadd.s32 $0xFFFF8000  }
0x1a5: {  	[hbm4b:s31+s2] =	stream.linear.scatter [tilespmem:s2], [sflag:$0x2], $0x8000, $0x38;
	[tilespmem:$0x18000] =	vst v63  }
0x1a6: {  	s1 =	rddreg [dreg:$0x5]  }
0x1a7: {  	[hbm4b:s1+s2] =	stream.linear.scatter [tilespmem:s2], [sflag:$0x2], $0x8000, $0x38;
	[tilespmem:$0x18000] =	vst v63  }
0x1a8: {  	s31 =	rddreg [dreg:$0x6]  }
0x1a9: {  	[hbm4b:s31+s2] =	stream.linear.scatter [tilespmem:s2], [sflag:$0x2], $0x8000, $0x38;
	[tilespmem:$0x18000] =	vst v63  }
0x1aa: {  	s0 =	rddreg [dreg:$0x7]  }
0x1ab: {  	[hbm4b:s0+s2] =	stream.linear.scatter [tilespmem:s2], [sflag:$0x2], $0x8000, $0x38;
	[tilespmem:$0x18000] =	vst v63  }
0x1ac: {  	s31 =	rddreg [dreg:$0x8]  }
0x1ad: {  	[tilespmem:s25], [sflag:$0x1] =	stream.linear.gather [hbm4b:s31+s2], $0x8000, $0x38;
	[tilespmem:$0x18000] =	vst v63  }
0x1ae: {  	_ =	swait.ge [sflag:s9], $0x8000  }
0x1af: {  	[sflag:s9] =	ssyncset.done $0x0  }
0x1b0: {  	s1 =	rddreg [dreg:$0x9];
	[sflag:s9] =	ssyncadd.s32 $0xFFFF8000  }
0x1b1: {  	[hbm4b:s1+s2] =	stream.linear.scatter [tilespmem:s8], [sflag:$0x2], $0x8000, $0x38;
	[tilespmem:$0x18000] =	vst v63  }
0x1b2: {  	s31 =	rddreg [dreg:$0xa]  }
0x1b3: {  	[hbm4b:s31+s2] =	stream.linear.scatter [tilespmem:s8], [sflag:$0x2], $0x8000, $0x38;
	[tilespmem:$0x18000] =	vst v63  }
0x1b4: {  	s0 =	rddreg [dreg:$0xb]  }
0x1b5: {  	[hbm4b:s0+s2] =	stream.linear.scatter [tilespmem:s8], [sflag:$0x2], $0x8000, $0x38;
	[tilespmem:$0x18000] =	vst v63  }
0x1b6: {  	s31 =	rddreg [dreg:$0xc]  }
0x1b7: {  	[hbm4b:s31+s2] =	stream.linear.scatter [tilespmem:s8], [sflag:$0x2], $0x8000, $0x38;
	[tilespmem:$0x18000] =	vst v63  }
0x1b8: {  	_ =	swait.ge [sflag:s3], $0x8000  }
0x1b9: {  	[sflag:s3] =	ssyncset.done $0x0  }
0x1ba: {  	[sflag:s3] =	ssyncadd.s32 $0xFFFF8000  }
0x1bb: {  	_ =	swait.ge [sflag:s3], $0x8000  }
0x1bc: {  	[sflag:s3] =	ssyncset.done $0x0  }
0x1bd: {  	[sflag:s3] =	ssyncadd.s32 $0xFFFF8000  }
0x1be: {  	_ =	swait.ge [sflag:s3], $0x8000  }
0x1bf: {  	[sflag:s3] =	ssyncset.done $0x0  }
0x1c0: {  	[sflag:s3] =	ssyncadd.s32 $0xFFFF8000  }
0x1c1: {  	_ =	swait.ge [sflag:s3], $0x8000  }
0x1c2: {  	[sflag:s3] =	ssyncset.done $0x0  }
0x1c3: {  	s31 =	rddreg [dreg:$0xd];
	[sflag:s3] =	ssyncadd.s32 $0xFFFF8000  }
0x1c4: {  	[tilespmem:s2], [sflag:$0x1] =	stream.linear.gather [hbm4b:s31+s2], $0x8000, $0x38;
	[tilespmem:$0x18000] =	vst v63  }
0x1c5: {  	_ =	swait.ge [sflag:s9], $0x8000  }
0x1c6: {  	[sflag:s9] =	ssyncset.done $0x0  }
0x1c7: {  	s1 =	rddreg [dreg:$0xe];
	[sflag:s9] =	ssyncadd.s32 $0xFFFF8000  }
0x1c8: {  	[hbm4b:s1+s2] =	stream.linear.scatter [tilespmem:s25], [sflag:$0x2], $0x8000, $0x38;
	[tilespmem:$0x18000] =	vst v63  }
0x1c9: {  	s31 =	rddreg [dreg:$0xf]  }
0x1ca: {  	[hbm4b:s31+s2] =	stream.linear.scatter [tilespmem:s25], [sflag:$0x2], $0x8000, $0x38;
	[tilespmem:$0x18000] =	vst v63  }
0x1cb: {  	s0 =	rddreg [dreg:$0x10]  }
0x1cc: {  	[hbm4b:s0+s2] =	stream.linear.scatter [tilespmem:s25], [sflag:$0x2], $0x8000, $0x38;
	[tilespmem:$0x18000] =	vst v63  }
0x1cd: {  	s31 =	rddreg [dreg:$0x11]  }
0x1ce: {  	[hbm4b:s31+s2] =	stream.linear.scatter [tilespmem:s25], [sflag:$0x2], $0x8000, $0x38;
	[tilespmem:$0x18000] =	vst v63  }
0x1cf: {  	_ =	swait.ge [sflag:s3], $0x8000  }
0x1d0: {  	[sflag:s3] =	ssyncset.done $0x0  }
0x1d1: {  	[sflag:s3] =	ssyncadd.s32 $0xFFFF8000  }
0x1d2: {  	_ =	swait.ge [sflag:s3], $0x8000  }
0x1d3: {  	[sflag:s3] =	ssyncset.done $0x0  }
0x1d4: {  	[sflag:s3] =	ssyncadd.s32 $0xFFFF8000  }
0x1d5: {  	_ =	swait.ge [sflag:s3], $0x8000  }
0x1d6: {  	[sflag:s3] =	ssyncset.done $0x0  }
0x1d7: {  	[sflag:s3] =	ssyncadd.s32 $0xFFFF8000  }
0x1d8: {  	_ =	swait.ge [sflag:s3], $0x8000  }
0x1d9: {  	[sflag:s3] =	ssyncset.done $0x0  }
0x1da: {  	s1 =	rddreg [dreg:$0x12];
	[sflag:s3] =	ssyncadd.s32 $0xFFFF8000  }
0x1db: {  	[tilespmem:s8], [sflag:$0x1] =	stream.linear.gather [hbm4b:s1+s2], $0x8000, $0x38;
	[tilespmem:$0x18000] =	vst v63  }
0x1dc: {  	_ =	swait.ge [sflag:s9], $0x8000  }
0x1dd: {  	[sflag:s9] =	ssyncset.done $0x0  }
0x1de: {  	[sflag:s9] =	ssyncadd.s32 $0xFFFF8000  }
0x1df: {  	[hbm4b:s26+s2] =	stream.linear.scatter [tilespmem:s2], [sflag:$0x2], $0x8000, $0x38;
	[tilespmem:$0x18000] =	vst v63  }
0x1e0: {  	_ = 	snop  }
0x1e1: {  	[hbm4b:s28+s2] =	stream.linear.scatter [tilespmem:s2], [sflag:$0x2], $0x8000, $0x38;
	[tilespmem:$0x18000] =	vst v63  }
0x1e2: {  	_ = 	snop  }
0x1e3: {  	[hbm4b:s29+s2] =	stream.linear.scatter [tilespmem:s2], [sflag:$0x2], $0x8000, $0x38;
	[tilespmem:$0x18000] =	vst v63  }
0x1e4: {  	_ = 	snop  }
0x1e5: {  	[hbm4b:s30+s2] =	stream.linear.scatter [tilespmem:s2], [sflag:$0x2], $0x8000, $0x38;
	[tilespmem:$0x18000] =	vst v63  }
0x1e6: {  	_ =	swait.ge [sflag:s3], $0x8000  }
0x1e7: {  	[sflag:s3] =	ssyncset.done $0x0  }
0x1e8: {  	[sflag:s3] =	ssyncadd.s32 $0xFFFF8000  }
0x1e9: {  	_ =	swait.ge [sflag:s3], $0x8000  }
0x1ea: {  	[sflag:s3] =	ssyncset.done $0x0  }
0x1eb: {  	[sflag:s3] =	ssyncadd.s32 $0xFFFF8000  }
0x1ec: {  	_ =	swait.ge [sflag:s3], $0x8000  }
0x1ed: {  	[sflag:s3] =	ssyncset.done $0x0  }
0x1ee: {  	[sflag:s3] =	ssyncadd.s32 $0xFFFF8000  }
0x1ef: {  	_ =	swait.ge [sflag:s3], $0x8000  }
0x1f0: {  	[sflag:s3] =	ssyncset.done $0x0  }
0x1f1: {  	[sflag:s3] =	ssyncadd.s32 $0xFFFF8000  }
0x1f2: {  	[tilespmem:s25], [sflag:$0x1] =	stream.linear.gather [hbm4b:s24+s2], $0x8000, $0x38;
	[tilespmem:$0x18000] =	vst v63  }
0x1f3: {  	_ =	swait.ge [sflag:s9], $0x8000  }
0x1f4: {  	[sflag:s9] =	ssyncset.done $0x0  }
0x1f5: {  	[sflag:s9] =	ssyncadd.s32 $0xFFFF8000  }
0x1f6: {  	[hbm4b:s20+s2] =	stream.linear.scatter [tilespmem:s8], [sflag:$0x2], $0x8000, $0x38;
	[tilespmem:$0x18000] =	vst v63  }
0x1f7: {  	_ = 	snop  }
0x1f8: {  	[hbm4b:s21+s2] =	stream.linear.scatter [tilespmem:s8], [sflag:$0x2], $0x8000, $0x38;
	[tilespmem:$0x18000] =	vst v63  }
0x1f9: {  	_ = 	snop  }
0x1fa: {  	[hbm4b:s22+s2] =	stream.linear.scatter [tilespmem:s8], [sflag:$0x2], $0x8000, $0x38;
	[tilespmem:$0x18000] =	vst v63  }
0x1fb: {  	_ = 	snop  }
0x1fc: {  	[hbm4b:s23+s2] =	stream.linear.scatter [tilespmem:s8], [sflag:$0x2], $0x8000, $0x38;
	[tilespmem:$0x18000] =	vst v63  }
0x1fd: {  	_ =	swait.ge [sflag:s3], $0x8000  }
0x1fe: {  	[sflag:s3] =	ssyncset.done $0x0  }
0x1ff: {  	[sflag:s3] =	ssyncadd.s32 $0xFFFF8000  }
0x200: {  	_ =	swait.ge [sflag:s3], $0x8000  }
0x201: {  	[sflag:s3] =	ssyncset.done $0x0  }
0x202: {  	[sflag:s3] =	ssyncadd.s32 $0xFFFF8000  }
0x203: {  	_ =	swait.ge [sflag:s3], $0x8000  }
0x204: {  	[sflag:s3] =	ssyncset.done $0x0  }
0x205: {  	[sflag:s3] =	ssyncadd.s32 $0xFFFF8000  }
0x206: {  	_ =	swait.ge [sflag:s3], $0x8000  }
0x207: {  	[sflag:s3] =	ssyncset.done $0x0  }
0x208: {  	[sflag:s3] =	ssyncadd.s32 $0xFFFF8000  }
0x209: {  	[tilespmem:s2], [sflag:$0x1] =	stream.linear.gather [hbm4b:s19+s2], $0x8000, $0x38;
	[tilespmem:$0x18000] =	vst v63  }
0x20a: {  	_ =	swait.ge [sflag:s9], $0x8000  }
0x20b: {  	[sflag:s9] =	ssyncset.done $0x0  }
0x20c: {  	[sflag:s9] =	ssyncadd.s32 $0xFFFF8000  }
0x20d: {  	[hbm4b:s15+s2] =	stream.linear.scatter [tilespmem:s25], [sflag:$0x2], $0x8000, $0x38;
	[tilespmem:$0x18000] =	vst v63  }
0x20e: {  	_ = 	snop  }
0x20f: {  	[hbm4b:s16+s2] =	stream.linear.scatter [tilespmem:s25], [sflag:$0x2], $0x8000, $0x38;
	[tilespmem:$0x18000] =	vst v63  }
0x210: {  	_ = 	snop  }
0x211: {  	[hbm4b:s17+s2] =	stream.linear.scatter [tilespmem:s25], [sflag:$0x2], $0x8000, $0x38;
	[tilespmem:$0x18000] =	vst v63  }
0x212: {  	_ = 	snop  }
0x213: {  	[hbm4b:s18+s2] =	stream.linear.scatter [tilespmem:s25], [sflag:$0x2], $0x8000, $0x38;
	[tilespmem:$0x18000] =	vst v63  }
0x214: {  	_ =	swait.ge [sflag:s3], $0x8000  }
0x215: {  	[sflag:s3] =	ssyncset.done $0x0  }
0x216: {  	[sflag:s3] =	ssyncadd.s32 $0xFFFF8000  }
0x217: {  	_ =	swait.ge [sflag:s3], $0x8000  }
0x218: {  	[sflag:s3] =	ssyncset.done $0x0  }
0x219: {  	[sflag:s3] =	ssyncadd.s32 $0xFFFF8000  }
0x21a: {  	_ =	swait.ge [sflag:s3], $0x8000  }
0x21b: {  	[sflag:s3] =	ssyncset.done $0x0  }
0x21c: {  	[sflag:s3] =	ssyncadd.s32 $0xFFFF8000  }
0x21d: {  	_ =	swait.ge [sflag:s3], $0x8000  }
0x21e: {  	[sflag:s3] =	ssyncset.done $0x0  }
0x21f: {  	[sflag:s3] =	ssyncadd.s32 $0xFFFF8000  }
0x220: {  	[tilespmem:s8], [sflag:$0x1] =	stream.linear.gather [hbm4b:s14+s2], $0x8000, $0x38;
	[tilespmem:$0x18000] =	vst v63  }
0x221: {  	_ =	swait.ge [sflag:s9], $0x8000  }
0x222: {  	[sflag:s9] =	ssyncset.done $0x0  }
0x223: {  	[sflag:s9] =	ssyncadd.s32 $0xFFFF8000  }
0x224: {  	[hbm4b:s10+s2] =	stream.linear.scatter [tilespmem:s2], [sflag:$0x2], $0x8000, $0x38;
	[tilespmem:$0x18000] =	vst v63  }
0x225: {  	_ = 	snop  }
0x226: {  	[hbm4b:s11+s2] =	stream.linear.scatter [tilespmem:s2], [sflag:$0x2], $0x8000, $0x38;
	[tilespmem:$0x18000] =	vst v63  }
0x227: {  	_ = 	snop  }
0x228: {  	[hbm4b:s12+s2] =	stream.linear.scatter [tilespmem:s2], [sflag:$0x2], $0x8000, $0x38;
	[tilespmem:$0x18000] =	vst v63  }
0x229: {  	_ = 	snop  }
0x22a: {  	[hbm4b:s13+s2] =	stream.linear.scatter [tilespmem:s2], [sflag:$0x2], $0x8000, $0x38;
	[tilespmem:$0x18000] =	vst v63  }
0x22b: {  	_ =	swait.ge [sflag:s3], $0x8000  }
0x22c: {  	[sflag:s3] =	ssyncset.done $0x0  }
0x22d: {  	[sflag:s3] =	ssyncadd.s32 $0xFFFF8000  }
0x22e: {  	_ =	swait.ge [sflag:s3], $0x8000  }
0x22f: {  	[sflag:s3] =	ssyncset.done $0x0  }
0x230: {  	[sflag:s3] =	ssyncadd.s32 $0xFFFF8000  }
0x231: {  	_ =	swait.ge [sflag:s3], $0x8000  }
0x232: {  	[sflag:s3] =	ssyncset.done $0x0  }
0x233: {  	[sflag:s3] =	ssyncadd.s32 $0xFFFF8000  }
0x234: {  	_ =	swait.ge [sflag:s3], $0x8000  }
0x235: {  	[sflag:s3] =	ssyncset.done $0x0  }
0x236: {  	[sflag:s3] =	ssyncadd.s32 $0xFFFF8000  }
0x237: {  	_ =	swait.ge [sflag:s9], $0x8000  }
0x238: {  	[sflag:s9] =	ssyncset.done $0x0  }
0x239: {  	[sflag:s9] =	ssyncadd.s32 $0xFFFF8000  }
0x23a: {  	[hbm4b:s4+s2] =	stream.linear.scatter [tilespmem:s8], [sflag:$0x2], $0x8000, $0x38;
	[tilespmem:$0x18000] =	vst v63  }
0x23b: {  	_ = 	snop  }
0x23c: {  	[hbm4b:s5+s2] =	stream.linear.scatter [tilespmem:s8], [sflag:$0x2], $0x8000, $0x38;
	[tilespmem:$0x18000] =	vst v63  }
0x23d: {  	_ = 	snop  }
0x23e: {  	[hbm4b:s6+s2] =	stream.linear.scatter [tilespmem:s8], [sflag:$0x2], $0x8000, $0x38;
	[tilespmem:$0x18000] =	vst v63  }
0x23f: {  	_ = 	snop  }
0x240: {  	[hbm4b:s7+s2] =	stream.linear.scatter [tilespmem:s8], [sflag:$0x2], $0x8000, $0x38;
	[tilespmem:$0x18000] =	vst v63  }
0x241: {  	_ =	swait.ge [sflag:s3], $0x8000  }
0x242: {  	[sflag:s3] =	ssyncset.done $0x0  }
0x243: {  	[sflag:s3] =	ssyncadd.s32 $0xFFFF8000  }
0x244: {  	_ =	swait.ge [sflag:s3], $0x8000  }
0x245: {  	[sflag:s3] =	ssyncset.done $0x0  }
0x246: {  	[sflag:s3] =	ssyncadd.s32 $0xFFFF8000  }
0x247: {  	_ =	swait.ge [sflag:s3], $0x8000  }
0x248: {  	[sflag:s3] =	ssyncset.done $0x0  }
0x249: {  	[sflag:s3] =	ssyncadd.s32 $0xFFFF8000  }
0x24a: {  	_ =	swait.ge [sflag:s3], $0x8000  }
0x24b: {  	[sflag:s3] =	ssyncset.done $0x0  }
0x24c: {  	[sflag:s3] =	ssyncadd.s32 $0xFFFF8000  }
0x24d: {  	_ =	swait.ge [sflag:s3], $0x8000  }
0x24e: {  	[sflag:s3] =	ssyncset.done $0x0  }
0x24f: {  	[sflag:s3] =	ssyncadd.s32 $0xFFFF8000  }
0x250: {  	_ =	swait.ge [sflag:s3], $0x8000  }
0x251: {  	[sflag:s3] =	ssyncset.done $0x0  }
0x252: {  	[sflag:s3] =	ssyncadd.s32 $0xFFFF8000  }
0x253: {  	_ =	swait.ge [sflag:s3], $0x8000  }
0x254: {  	[sflag:s3] =	ssyncset.done $0x0  }
0x255: {  	[sflag:s3] =	ssyncadd.s32 $0xFFFF8000  }
0x256: {  	_ =	swait.ge [sflag:s3], $0x8000  }
0x257: {  	[sflag:s3] =	ssyncset.done $0x0  }
0x258: {  	[sflag:s3] =	ssyncadd.s32 $0xFFFF8000  }
0x259: {  	_ =	sfence.sel $0x180000  }
0x25a: {  	[bflag:$0x0] =	sbarrier.arrive $0xFFFF  }
0x25b: {  	_ =	strace $0x90000047  }
0x25c: {  	s31 =	stileid.u32;
	[bflag:$0x2] =	sbarrier.arrive $0xFFFF  }
0x25d: {  	p0 =	sne.s32 s31, $0x0;
	s0 =	rddreg [dreg:$0x2]  }
0x25e: {  	s0 =	sadd.s32 @!p0 $0x100000, s0  }
0x25f: {  	[sflag:s0] =	ssyncadd.tile.s32 @!p0 $0x1;
	_ =	shalt  }
.LBB2_2:
.Ltmp3:
0x260: {  	(pc) =	sbr.rel .LBB2_5-.Ltmp3, $2  }
0x261: {  	_ =	sdelay $0x2  }
0x262: {  	s31 =	rddreg [dreg:$0x13]  }
.Lfunc_end2:
_tile_overlayer_lowered:
.L_overlay_start_2:
0x263: {  	(tag) =	ssettag $0x2  }
0x264: {  	s0 =	rddreg [dreg:$0x0];
	s2 =	stileid.u32  }
0x265: {  	s1 =	rddreg [dreg:$0x1];
	p0 =	sne.s32 s2, $0x0  }
0x266: {  	s3 =	rddreg [dreg:$0x2];
	[bflag:$0x3] =	sbarrier.arrive $0xFFFF;
	s2 =	simm.s32 @!p0 $0x1C03  }
0x267: {  	[timem:s3], [sflag:s2] =	dma.local @!p0 [hbm:s0], s1  }
0x268: {  	s0 =	simm.s32 @!p0 $0x3  }
0x269: {  	_ =	swait.ge @!p0 [sflag:s0], s1  }
0x26a: {  	s1 =	ssub.s32 @!p0 $0x0, s1;
	[sflag:s0] =	ssyncset.done @!p0 $0x0  }
0x26b: {  	[sflag:s0] =	ssyncadd.s32 @!p0 s1  }
0x26c: {  	[bflag:$0x3] =	sbarrier.arrive $0xFFFF  }
0x26d: {  	_ =	shalt  }

</sc_bundles>
